<compile_context>
chip_gen: v7x
topology: tpu7x:2x2x1
jax: 0.10.2.dev20260603
libtpu: 0.0.44.dev20260713+nightly
codegen_flags: <defaults>
</compile_context>

<pallas_src>
import functools

import jax
import jax.numpy as jnp
from jax import lax
from jax.experimental import pallas as pl
from jax.experimental.pallas import tpu as pltpu
from jax.experimental.pallas import tpu_sc as plsc

B, T, E = 1024, 200, 128
NC, NS = 2, 16
NW = NC * NS
ROWS_PW = B // NW
N = B * T
IA, IB = 104, T - 104
NBUF = 4
GROUPS = ROWS_PW // NBUF

_mesh = plsc.VectorSubcoreMesh(core_axis_name="c", subcore_axis_name="s")


@functools.partial(
    pl.kernel,
    out_type=jax.ShapeDtypeStruct((N, E), jnp.float32),
    mesh=_mesh,
    scratch_types=[
        pltpu.VMEM_SHARED((T, E), jnp.float32),
        pltpu.VMEM((T, E), jnp.float32),
        pltpu.VMEM((T, E), jnp.float32),
        pltpu.VMEM((T, E), jnp.float32),
        pltpu.VMEM((T, E), jnp.float32),
        pltpu.VMEM((ROWS_PW * T,), jnp.int32),
        pltpu.SemaphoreType.DMA,
        pltpu.SemaphoreType.DMA,
        pltpu.SemaphoreType.DMA,
        pltpu.SemaphoreType.DMA,
        pltpu.SemaphoreType.DMA,
        pltpu.SemaphoreType.DMA,
        pltpu.SemaphoreType.DMA,
        pltpu.SemaphoreType.DMA,
    ],
)
def _emb_kernel(x_hbm, tok_hbm, pos_hbm, out_hbm,
                pos_sh, rows0, rows1, rows2, rows3, idx_v,
                sem_g0, sem_g1, sem_g2, sem_g3,
                sem_w0, sem_w1, sem_w2, sem_w3):
    rows = (rows0, rows1, rows2, rows3)
    sem_g = (sem_g0, sem_g1, sem_g2, sem_g3)
    sem_w = (sem_w0, sem_w1, sem_w2, sem_w3)

    sid = lax.axis_index("s")
    wid = sid * NC + lax.axis_index("c")

    @pl.when(sid == 0)
    def _stage_pos():
        pltpu.sync_copy(pos_hbm.at[pl.ds(0, T)], pos_sh)

    plsc.subcore_barrier()

    cbase = wid * ROWS_PW

    pltpu.sync_copy(x_hbm.at[pl.ds(cbase * T, ROWS_PW * T)], idx_v)

    def refill_and_gather(p, off):
        pltpu.sync_copy(pos_sh, rows[p])
        return (
            pltpu.async_copy(tok_hbm.at[idx_v.at[pl.ds(off, IA)]],
                             rows[p].at[pl.ds(0, IA)], sem_g[p], add=True),
            pltpu.async_copy(tok_hbm.at[idx_v.at[pl.ds(off + IA, IB)]],
                             rows[p].at[pl.ds(IA, IB)], sem_g[p], add=True),
        )

    def start_writes(base, gs):
        for p in range(NBUF):
            for c in gs[p]:
                c.wait()
            pltpu.async_copy(rows[p], out_hbm.at[pl.ds(base + p * T, T)],
                             sem_w[p])

    start_writes(cbase * T,
                 [refill_and_gather(p, p * T) for p in range(NBUF)])

    def body(g, _):
        base = (cbase + NBUF * g) * T
        off = NBUF * g * T
        gs = []
        for p in range(NBUF):
            pltpu.make_async_copy(
                rows[p], out_hbm.at[pl.ds(base + (p - NBUF) * T, T)],
                sem_w[p]).wait()
            gs.append(refill_and_gather(p, off + p * T))
        start_writes(base, gs)
        return 0

    lax.fori_loop(1, GROUPS, body, 0)

    last = (cbase + ROWS_PW - NBUF) * T
    for p in range(NBUF):
        pltpu.make_async_copy(rows[p], out_hbm.at[pl.ds(last + p * T, T)],
                              sem_w[p]).wait()


def kernel(x, tok_table, pos_table):
    out = _emb_kernel(x.reshape(-1).astype(jnp.int32), tok_table, pos_table)
    return out.reshape(B, T, E)

# --- scband reference (transcript-rebuilt; emitter-appended) ---
"""Pipeline reference for scband-token-and-positional-embedding-27891517620393 (READ-ONLY COPY).

The authoritative reference and input builder live on the scoring server;
editing this copy changes nothing except your own understanding.
"""

import jax, jax.numpy as jnp
import numpy as np

VOCAB = 100000
EMBED = 128
MAX_SEQ = 2048
B, T = 1024, 200

def setup_inputs(seed: int = 0) -> dict:
    key = jax.random.key(seed)
    k1, k2, k3 = jax.random.split(key, 3)
    x = jax.random.randint(k1, (B, T), 0, VOCAB, dtype=jnp.int64 if jax.config.jax_enable_x64 else jnp.int32)
    tok_table = jax.random.normal(k2, (VOCAB, EMBED), dtype=jnp.float32) * 0.02
    pos_table = jax.random.normal(k3, (MAX_SEQ, EMBED), dtype=jnp.float32) * 0.02
    return {"x": x, "tok_table": tok_table, "pos_table": pos_table}

def reference(x, tok_table, pos_table):
    # token embedding lookup (gather)
    tok_emb = jnp.take(tok_table, x, axis=0)            # [B, T, E]
    # positional embedding lookup
    Tlen = x.shape[1]
    pos = jnp.arange(Tlen)
    pos_emb = jnp.take(pos_table, pos, axis=0)          # [T, E]
    out = tok_emb + pos_emb[None, :, :]
    # dropout is identity in eval / inference mode
    return out

if __name__ == "__main__":
    import jax
    _d = setup_inputs()
    print(jax.jit(kernel)(*tuple(_d.values())))

</pallas_src>

<mosaic_0001>
#map = affine_map<(d0, d1) -> (0)>
#map1 = affine_map<(d0, d1) -> (0, 0)>
module attributes {stable_mosaic.version = 14 : i64} {
  func.func @_emb_kernel(%arg0: i32, %arg1: i32, %arg2: memref<204800xi32, #tpu.memory_space<hbm>>, %arg3: memref<100000x128xf32, #tpu.memory_space<hbm>>, %arg4: memref<2048x128xf32, #tpu.memory_space<hbm>>, %arg5: memref<204800x128xf32, #tpu.memory_space<hbm>>, %arg6: memref<200x128xf32, #tpu.memory_space<vmem_shared>>, %arg7: memref<200x128xf32, #tpu.memory_space<vmem>>, %arg8: memref<200x128xf32, #tpu.memory_space<vmem>>, %arg9: memref<200x128xf32, #tpu.memory_space<vmem>>, %arg10: memref<200x128xf32, #tpu.memory_space<vmem>>, %arg11: memref<6400xi32, #tpu.memory_space<vmem>>, %arg12: memref<!tpu.dma_semaphore, #tpu.memory_space<semaphore_mem>>, %arg13: memref<!tpu.dma_semaphore, #tpu.memory_space<semaphore_mem>>, %arg14: memref<!tpu.dma_semaphore, #tpu.memory_space<semaphore_mem>>, %arg15: memref<!tpu.dma_semaphore, #tpu.memory_space<semaphore_mem>>, %arg16: memref<!tpu.dma_semaphore, #tpu.memory_space<semaphore_mem>>, %arg17: memref<!tpu.dma_semaphore, #tpu.memory_space<semaphore_mem>>, %arg18: memref<!tpu.dma_semaphore, #tpu.memory_space<semaphore_mem>>, %arg19: memref<!tpu.dma_semaphore, #tpu.memory_space<semaphore_mem>>) attributes {dimension_semantics = [#tpu.dimension_semantics<core_parallel>, #tpu.dimension_semantics<subcore_parallel>], iteration_bounds = array<i64: 2, 16>, scalar_prefetch = 0 : i64, scratch_operands = 14 : i64, tpu.core_type = #tpu.core_type<sc_vector_subcore>, window_params = [{transform_indices = #map}, {transform_indices = #map1}, {transform_indices = #map1}, {transform_indices = #map1}]} {
    %mul3A = arith.constant 2 : i32
    %mul3A_0 = arith.muli %arg1, %mul3A : i32
    %add3A = arith.addi %mul3A_0, %arg0 : i32
    %eq3A = arith.constant 0 : i32
    %eq3A_1 = arith.cmpi eq, %arg1, %eq3A : i32
    %convert_element_type3A = arith.extui %eq3A_1 : i1 to i32
    %cond3A = arith.constant 0 : i32
    %cond3A_2 = arith.cmpi ne, %convert_element_type3A, %cond3A : i32
    scf.if %cond3A_2 {
      "tpu.region"() ({
        %run_scoped3A = tpu.sem_alloc : memref<!tpu.dma_semaphore, #tpu.memory_space<semaphore_mem>>
        %dma_start3A_194 = arith.constant 0 : i32
        %dma_start3A_195 = arith.constant 0 : i32
        %dma_start3A_196 = tpu.memref_slice %arg4[%dma_start3A_194, %dma_start3A_195] : memref<2048x128xf32, #tpu.memory_space<hbm>> -> memref<200x128xf32, #tpu.memory_space<hbm>>
        tpu.enqueue_dma source(%dma_start3A_196 : memref<200x128xf32, #tpu.memory_space<hbm>>) target(%arg6 : memref<200x128xf32, #tpu.memory_space<vmem_shared>>) target_semaphore(%run_scoped3A : memref<!tpu.dma_semaphore, #tpu.memory_space<semaphore_mem>>)
        %dma_wait3A_197 = arith.constant 0 : i32
        %dma_wait3A_198 = arith.constant 0 : i32
        %dma_wait3A_199 = tpu.memref_slice %arg4[%dma_wait3A_197, %dma_wait3A_198] : memref<2048x128xf32, #tpu.memory_space<hbm>> -> memref<200x128xf32, #tpu.memory_space<hbm>>
        tpu.wait_dma2 semaphore(%run_scoped3A : memref<!tpu.dma_semaphore, #tpu.memory_space<semaphore_mem>>) src(%dma_wait3A_199 : memref<200x128xf32, #tpu.memory_space<hbm>>) dst(%arg6 : memref<200x128xf32, #tpu.memory_space<vmem_shared>>)
        tpu.yield
      }) : () -> ()
    } else {
    }
    %barrier3A = arith.constant 0 : index
    tpu.barrier barrier_id(%barrier3A)
    %mul3A_3 = arith.constant 32 : i32
    %mul3A_4 = arith.muli %add3A, %mul3A_3 : i32
    %mul3A_5 = arith.constant 200 : i32
    %mul3A_6 = arith.muli %mul3A_4, %mul3A_5 : i32
    "tpu.region"() ({
      %run_scoped3A = tpu.sem_alloc : memref<!tpu.dma_semaphore, #tpu.memory_space<semaphore_mem>>
      %dma_start3A_194 = tpu.memref_slice %arg2[%mul3A_6] : memref<204800xi32, #tpu.memory_space<hbm>> -> memref<6400xi32, #tpu.memory_space<hbm>>
      %dma_start3A_195 = tpu.memref_slice %arg2[%mul3A_6] : memref<204800xi32, #tpu.memory_space<hbm>> -> memref<6400xi32, #tpu.memory_space<hbm>>
      tpu.enqueue_dma source(%dma_start3A_195 : memref<6400xi32, #tpu.memory_space<hbm>>) target(%arg11 : memref<6400xi32, #tpu.memory_space<vmem>>) target_semaphore(%run_scoped3A : memref<!tpu.dma_semaphore, #tpu.memory_space<semaphore_mem>>)
      %dma_wait3A_196 = tpu.memref_slice %arg2[%mul3A_6] : memref<204800xi32, #tpu.memory_space<hbm>> -> memref<6400xi32, #tpu.memory_space<hbm>>
      %dma_wait3A_197 = tpu.memref_slice %arg2[%mul3A_6] : memref<204800xi32, #tpu.memory_space<hbm>> -> memref<6400xi32, #tpu.memory_space<hbm>>
      tpu.wait_dma2 semaphore(%run_scoped3A : memref<!tpu.dma_semaphore, #tpu.memory_space<semaphore_mem>>) src(%dma_wait3A_197 : memref<6400xi32, #tpu.memory_space<hbm>>) dst(%arg11 : memref<6400xi32, #tpu.memory_space<vmem>>)
      tpu.yield
    }) : () -> ()
    %mul3A_7 = arith.constant 200 : i32
    %mul3A_8 = arith.muli %mul3A_4, %mul3A_7 : i32
    "tpu.region"() ({
      %run_scoped3A = tpu.sem_alloc : memref<!tpu.dma_semaphore, #tpu.memory_space<semaphore_mem>>
      tpu.enqueue_dma source(%arg6 : memref<200x128xf32, #tpu.memory_space<vmem_shared>>) target(%arg7 : memref<200x128xf32, #tpu.memory_space<vmem>>) target_semaphore(%run_scoped3A : memref<!tpu.dma_semaphore, #tpu.memory_space<semaphore_mem>>)
      tpu.wait_dma2 semaphore(%run_scoped3A : memref<!tpu.dma_semaphore, #tpu.memory_space<semaphore_mem>>) src(%arg6 : memref<200x128xf32, #tpu.memory_space<vmem_shared>>) dst(%arg7 : memref<200x128xf32, #tpu.memory_space<vmem>>)
      tpu.yield
    }) : () -> ()
    %dma_start3A = arith.constant 0 : i32
    %dma_start3A_9 = arith.constant 0 : i32
    %dma_start3A_10 = tpu.memref_slice %arg7[%dma_start3A, %dma_start3A_9] : memref<200x128xf32, #tpu.memory_space<vmem>> -> memref<104x128xf32, #tpu.memory_space<vmem>>
    %dma_start3A_11 = arith.constant 0 : i32
    %dma_start3A_12 = tpu.memref_slice %arg11[%dma_start3A_11] : memref<6400xi32, #tpu.memory_space<vmem>> -> memref<104xi32, #tpu.memory_space<vmem>>
    %dma_start3A_13 = arith.constant 0 : i32
    %dma_start3A_14 = arith.constant 0 : i32
    %dma_start3A_15 = tpu.memref_slice %arg3[%dma_start3A_13, %dma_start3A_14] : memref<100000x128xf32, #tpu.memory_space<hbm>> -> memref<100000x128xf32, #tpu.memory_space<hbm>>
    tpu.enqueue_indirect_dma source(%dma_start3A_15 : memref<100000x128xf32, #tpu.memory_space<hbm>>) target(%dma_start3A_10 : memref<104x128xf32, #tpu.memory_space<vmem>>) offsets(%dma_start3A_12 : memref<104xi32, #tpu.memory_space<vmem>>) semaphore(%arg12 : memref<!tpu.dma_semaphore, #tpu.memory_space<semaphore_mem>>) {add = true}
    %dma_start3A_16 = arith.constant 104 : i32
    %dma_start3A_17 = arith.constant 0 : i32
    %dma_start3A_18 = tpu.memref_slice %arg7[%dma_start3A_16, %dma_start3A_17] : memref<200x128xf32, #tpu.memory_space<vmem>> -> memref<96x128xf32, #tpu.memory_space<vmem>>
    %dma_start3A_19 = arith.constant 104 : i32
    %dma_start3A_20 = tpu.memref_slice %arg11[%dma_start3A_19] : memref<6400xi32, #tpu.memory_space<vmem>> -> memref<96xi32, #tpu.memory_space<vmem>>
    %dma_start3A_21 = arith.constant 0 : i32
    %dma_start3A_22 = arith.constant 0 : i32
    %dma_start3A_23 = tpu.memref_slice %arg3[%dma_start3A_21, %dma_start3A_22] : memref<100000x128xf32, #tpu.memory_space<hbm>> -> memref<100000x128xf32, #tpu.memory_space<hbm>>
    tpu.enqueue_indirect_dma source(%dma_start3A_23 : memref<100000x128xf32, #tpu.memory_space<hbm>>) target(%dma_start3A_18 : memref<96x128xf32, #tpu.memory_space<vmem>>) offsets(%dma_start3A_20 : memref<96xi32, #tpu.memory_space<vmem>>) semaphore(%arg12 : memref<!tpu.dma_semaphore, #tpu.memory_space<semaphore_mem>>) {add = true}
    "tpu.region"() ({
      %run_scoped3A = tpu.sem_alloc : memref<!tpu.dma_semaphore, #tpu.memory_space<semaphore_mem>>
      tpu.enqueue_dma source(%arg6 : memref<200x128xf32, #tpu.memory_space<vmem_shared>>) target(%arg8 : memref<200x128xf32, #tpu.memory_space<vmem>>) target_semaphore(%run_scoped3A : memref<!tpu.dma_semaphore, #tpu.memory_space<semaphore_mem>>)
      tpu.wait_dma2 semaphore(%run_scoped3A : memref<!tpu.dma_semaphore, #tpu.memory_space<semaphore_mem>>) src(%arg6 : memref<200x128xf32, #tpu.memory_space<vmem_shared>>) dst(%arg8 : memref<200x128xf32, #tpu.memory_space<vmem>>)
      tpu.yield
    }) : () -> ()
    %dma_start3A_24 = arith.constant 0 : i32
    %dma_start3A_25 = arith.constant 0 : i32
    %dma_start3A_26 = tpu.memref_slice %arg8[%dma_start3A_24, %dma_start3A_25] : memref<200x128xf32, #tpu.memory_space<vmem>> -> memref<104x128xf32, #tpu.memory_space<vmem>>
    %dma_start3A_27 = arith.constant 200 : i32
    %dma_start3A_28 = tpu.memref_slice %arg11[%dma_start3A_27] : memref<6400xi32, #tpu.memory_space<vmem>> -> memref<104xi32, #tpu.memory_space<vmem>>
    %dma_start3A_29 = arith.constant 0 : i32
    %dma_start3A_30 = arith.constant 0 : i32
    %dma_start3A_31 = tpu.memref_slice %arg3[%dma_start3A_29, %dma_start3A_30] : memref<100000x128xf32, #tpu.memory_space<hbm>> -> memref<100000x128xf32, #tpu.memory_space<hbm>>
    tpu.enqueue_indirect_dma source(%dma_start3A_31 : memref<100000x128xf32, #tpu.memory_space<hbm>>) target(%dma_start3A_26 : memref<104x128xf32, #tpu.memory_space<vmem>>) offsets(%dma_start3A_28 : memref<104xi32, #tpu.memory_space<vmem>>) semaphore(%arg13 : memref<!tpu.dma_semaphore, #tpu.memory_space<semaphore_mem>>) {add = true}
    %dma_start3A_32 = arith.constant 104 : i32
    %dma_start3A_33 = arith.constant 0 : i32
    %dma_start3A_34 = tpu.memref_slice %arg8[%dma_start3A_32, %dma_start3A_33] : memref<200x128xf32, #tpu.memory_space<vmem>> -> memref<96x128xf32, #tpu.memory_space<vmem>>
    %dma_start3A_35 = arith.constant 304 : i32
    %dma_start3A_36 = tpu.memref_slice %arg11[%dma_start3A_35] : memref<6400xi32, #tpu.memory_space<vmem>> -> memref<96xi32, #tpu.memory_space<vmem>>
    %dma_start3A_37 = arith.constant 0 : i32
    %dma_start3A_38 = arith.constant 0 : i32
    %dma_start3A_39 = tpu.memref_slice %arg3[%dma_start3A_37, %dma_start3A_38] : memref<100000x128xf32, #tpu.memory_space<hbm>> -> memref<100000x128xf32, #tpu.memory_space<hbm>>
    tpu.enqueue_indirect_dma source(%dma_start3A_39 : memref<100000x128xf32, #tpu.memory_space<hbm>>) target(%dma_start3A_34 : memref<96x128xf32, #tpu.memory_space<vmem>>) offsets(%dma_start3A_36 : memref<96xi32, #tpu.memory_space<vmem>>) semaphore(%arg13 : memref<!tpu.dma_semaphore, #tpu.memory_space<semaphore_mem>>) {add = true}
    "tpu.region"() ({
      %run_scoped3A = tpu.sem_alloc : memref<!tpu.dma_semaphore, #tpu.memory_space<semaphore_mem>>
      tpu.enqueue_dma source(%arg6 : memref<200x128xf32, #tpu.memory_space<vmem_shared>>) target(%arg9 : memref<200x128xf32, #tpu.memory_space<vmem>>) target_semaphore(%run_scoped3A : memref<!tpu.dma_semaphore, #tpu.memory_space<semaphore_mem>>)
      tpu.wait_dma2 semaphore(%run_scoped3A : memref<!tpu.dma_semaphore, #tpu.memory_space<semaphore_mem>>) src(%arg6 : memref<200x128xf32, #tpu.memory_space<vmem_shared>>) dst(%arg9 : memref<200x128xf32, #tpu.memory_space<vmem>>)
      tpu.yield
    }) : () -> ()
    %dma_start3A_40 = arith.constant 0 : i32
    %dma_start3A_41 = arith.constant 0 : i32
    %dma_start3A_42 = tpu.memref_slice %arg9[%dma_start3A_40, %dma_start3A_41] : memref<200x128xf32, #tpu.memory_space<vmem>> -> memref<104x128xf32, #tpu.memory_space<vmem>>
    %dma_start3A_43 = arith.constant 400 : i32
    %dma_start3A_44 = tpu.memref_slice %arg11[%dma_start3A_43] : memref<6400xi32, #tpu.memory_space<vmem>> -> memref<104xi32, #tpu.memory_space<vmem>>
    %dma_start3A_45 = arith.constant 0 : i32
    %dma_start3A_46 = arith.constant 0 : i32
    %dma_start3A_47 = tpu.memref_slice %arg3[%dma_start3A_45, %dma_start3A_46] : memref<100000x128xf32, #tpu.memory_space<hbm>> -> memref<100000x128xf32, #tpu.memory_space<hbm>>
    tpu.enqueue_indirect_dma source(%dma_start3A_47 : memref<100000x128xf32, #tpu.memory_space<hbm>>) target(%dma_start3A_42 : memref<104x128xf32, #tpu.memory_space<vmem>>) offsets(%dma_start3A_44 : memref<104xi32, #tpu.memory_space<vmem>>) semaphore(%arg14 : memref<!tpu.dma_semaphore, #tpu.memory_space<semaphore_mem>>) {add = true}
    %dma_start3A_48 = arith.constant 104 : i32
    %dma_start3A_49 = arith.constant 0 : i32
    %dma_start3A_50 = tpu.memref_slice %arg9[%dma_start3A_48, %dma_start3A_49] : memref<200x128xf32, #tpu.memory_space<vmem>> -> memref<96x128xf32, #tpu.memory_space<vmem>>
    %dma_start3A_51 = arith.constant 504 : i32
    %dma_start3A_52 = tpu.memref_slice %arg11[%dma_start3A_51] : memref<6400xi32, #tpu.memory_space<vmem>> -> memref<96xi32, #tpu.memory_space<vmem>>
    %dma_start3A_53 = arith.constant 0 : i32
    %dma_start3A_54 = arith.constant 0 : i32
    %dma_start3A_55 = tpu.memref_slice %arg3[%dma_start3A_53, %dma_start3A_54] : memref<100000x128xf32, #tpu.memory_space<hbm>> -> memref<100000x128xf32, #tpu.memory_space<hbm>>
    tpu.enqueue_indirect_dma source(%dma_start3A_55 : memref<100000x128xf32, #tpu.memory_space<hbm>>) target(%dma_start3A_50 : memref<96x128xf32, #tpu.memory_space<vmem>>) offsets(%dma_start3A_52 : memref<96xi32, #tpu.memory_space<vmem>>) semaphore(%arg14 : memref<!tpu.dma_semaphore, #tpu.memory_space<semaphore_mem>>) {add = true}
    "tpu.region"() ({
      %run_scoped3A = tpu.sem_alloc : memref<!tpu.dma_semaphore, #tpu.memory_space<semaphore_mem>>
      tpu.enqueue_dma source(%arg6 : memref<200x128xf32, #tpu.memory_space<vmem_shared>>) target(%arg10 : memref<200x128xf32, #tpu.memory_space<vmem>>) target_semaphore(%run_scoped3A : memref<!tpu.dma_semaphore, #tpu.memory_space<semaphore_mem>>)
      tpu.wait_dma2 semaphore(%run_scoped3A : memref<!tpu.dma_semaphore, #tpu.memory_space<semaphore_mem>>) src(%arg6 : memref<200x128xf32, #tpu.memory_space<vmem_shared>>) dst(%arg10 : memref<200x128xf32, #tpu.memory_space<vmem>>)
      tpu.yield
    }) : () -> ()
    %dma_start3A_56 = arith.constant 0 : i32
    %dma_start3A_57 = arith.constant 0 : i32
    %dma_start3A_58 = tpu.memref_slice %arg10[%dma_start3A_56, %dma_start3A_57] : memref<200x128xf32, #tpu.memory_space<vmem>> -> memref<104x128xf32, #tpu.memory_space<vmem>>
    %dma_start3A_59 = arith.constant 600 : i32
    %dma_start3A_60 = tpu.memref_slice %arg11[%dma_start3A_59] : memref<6400xi32, #tpu.memory_space<vmem>> -> memref<104xi32, #tpu.memory_space<vmem>>
    %dma_start3A_61 = arith.constant 0 : i32
    %dma_start3A_62 = arith.constant 0 : i32
    %dma_start3A_63 = tpu.memref_slice %arg3[%dma_start3A_61, %dma_start3A_62] : memref<100000x128xf32, #tpu.memory_space<hbm>> -> memref<100000x128xf32, #tpu.memory_space<hbm>>
    tpu.enqueue_indirect_dma source(%dma_start3A_63 : memref<100000x128xf32, #tpu.memory_space<hbm>>) target(%dma_start3A_58 : memref<104x128xf32, #tpu.memory_space<vmem>>) offsets(%dma_start3A_60 : memref<104xi32, #tpu.memory_space<vmem>>) semaphore(%arg15 : memref<!tpu.dma_semaphore, #tpu.memory_space<semaphore_mem>>) {add = true}
    %dma_start3A_64 = arith.constant 104 : i32
    %dma_start3A_65 = arith.constant 0 : i32
    %dma_start3A_66 = tpu.memref_slice %arg10[%dma_start3A_64, %dma_start3A_65] : memref<200x128xf32, #tpu.memory_space<vmem>> -> memref<96x128xf32, #tpu.memory_space<vmem>>
    %dma_start3A_67 = arith.constant 704 : i32
    %dma_start3A_68 = tpu.memref_slice %arg11[%dma_start3A_67] : memref<6400xi32, #tpu.memory_space<vmem>> -> memref<96xi32, #tpu.memory_space<vmem>>
    %dma_start3A_69 = arith.constant 0 : i32
    %dma_start3A_70 = arith.constant 0 : i32
    %dma_start3A_71 = tpu.memref_slice %arg3[%dma_start3A_69, %dma_start3A_70] : memref<100000x128xf32, #tpu.memory_space<hbm>> -> memref<100000x128xf32, #tpu.memory_space<hbm>>
    tpu.enqueue_indirect_dma source(%dma_start3A_71 : memref<100000x128xf32, #tpu.memory_space<hbm>>) target(%dma_start3A_66 : memref<96x128xf32, #tpu.memory_space<vmem>>) offsets(%dma_start3A_68 : memref<96xi32, #tpu.memory_space<vmem>>) semaphore(%arg15 : memref<!tpu.dma_semaphore, #tpu.memory_space<semaphore_mem>>) {add = true}
    %dma_wait3A = arith.constant 0 : i32
    %dma_wait3A_72 = arith.constant 0 : i32
    %dma_wait3A_73 = tpu.memref_slice %arg7[%dma_wait3A, %dma_wait3A_72] : memref<200x128xf32, #tpu.memory_space<vmem>> -> memref<104x128xf32, #tpu.memory_space<vmem>>
    %dma_wait3A_74 = arith.constant 0 : i32
    %dma_wait3A_75 = tpu.memref_slice %arg11[%dma_wait3A_74] : memref<6400xi32, #tpu.memory_space<vmem>> -> memref<104xi32, #tpu.memory_space<vmem>>
    %dma_wait3A_76 = arith.constant 0 : i32
    %dma_wait3A_77 = arith.constant 0 : i32
    %dma_wait3A_78 = tpu.memref_slice %arg3[%dma_wait3A_76, %dma_wait3A_77] : memref<100000x128xf32, #tpu.memory_space<hbm>> -> memref<100000x128xf32, #tpu.memory_space<hbm>>
    tpu.wait_indirect_dma semaphore(%arg12 : memref<!tpu.dma_semaphore, #tpu.memory_space<semaphore_mem>>) src(%dma_wait3A_78 : memref<100000x128xf32, #tpu.memory_space<hbm>>) dst(%dma_wait3A_73 : memref<104x128xf32, #tpu.memory_space<vmem>>)
    %dma_wait3A_79 = arith.constant 104 : i32
    %dma_wait3A_80 = arith.constant 0 : i32
    %dma_wait3A_81 = tpu.memref_slice %arg7[%dma_wait3A_79, %dma_wait3A_80] : memref<200x128xf32, #tpu.memory_space<vmem>> -> memref<96x128xf32, #tpu.memory_space<vmem>>
    %dma_wait3A_82 = arith.constant 104 : i32
    %dma_wait3A_83 = tpu.memref_slice %arg11[%dma_wait3A_82] : memref<6400xi32, #tpu.memory_space<vmem>> -> memref<96xi32, #tpu.memory_space<vmem>>
    %dma_wait3A_84 = arith.constant 0 : i32
    %dma_wait3A_85 = arith.constant 0 : i32
    %dma_wait3A_86 = tpu.memref_slice %arg3[%dma_wait3A_84, %dma_wait3A_85] : memref<100000x128xf32, #tpu.memory_space<hbm>> -> memref<100000x128xf32, #tpu.memory_space<hbm>>
    tpu.wait_indirect_dma semaphore(%arg12 : memref<!tpu.dma_semaphore, #tpu.memory_space<semaphore_mem>>) src(%dma_wait3A_86 : memref<100000x128xf32, #tpu.memory_space<hbm>>) dst(%dma_wait3A_81 : memref<96x128xf32, #tpu.memory_space<vmem>>)
    %add3A_87 = arith.constant 0 : i32
    %add3A_88 = arith.addi %mul3A_8, %add3A_87 : i32
    %dma_start3A_89 = arith.constant 0 : i32
    %dma_start3A_90 = tpu.memref_slice %arg5[%add3A_88, %dma_start3A_89] : memref<204800x128xf32, #tpu.memory_space<hbm>> -> memref<200x128xf32, #tpu.memory_space<hbm>>
    %dma_start3A_91 = arith.constant 0 : i32
    %dma_start3A_92 = tpu.memref_slice %arg5[%add3A_88, %dma_start3A_91] : memref<204800x128xf32, #tpu.memory_space<hbm>> -> memref<200x128xf32, #tpu.memory_space<hbm>>
    tpu.enqueue_dma source(%arg7 : memref<200x128xf32, #tpu.memory_space<vmem>>) target(%dma_start3A_92 : memref<200x128xf32, #tpu.memory_space<hbm>>) target_semaphore(%arg16 : memref<!tpu.dma_semaphore, #tpu.memory_space<semaphore_mem>>)
    %dma_wait3A_93 = arith.constant 0 : i32
    %dma_wait3A_94 = arith.constant 0 : i32
    %dma_wait3A_95 = tpu.memref_slice %arg8[%dma_wait3A_93, %dma_wait3A_94] : memref<200x128xf32, #tpu.memory_space<vmem>> -> memref<104x128xf32, #tpu.memory_space<vmem>>
    %dma_wait3A_96 = arith.constant 200 : i32
    %dma_wait3A_97 = tpu.memref_slice %arg11[%dma_wait3A_96] : memref<6400xi32, #tpu.memory_space<vmem>> -> memref<104xi32, #tpu.memory_space<vmem>>
    %dma_wait3A_98 = arith.constant 0 : i32
    %dma_wait3A_99 = arith.constant 0 : i32
    %dma_wait3A_100 = tpu.memref_slice %arg3[%dma_wait3A_98, %dma_wait3A_99] : memref<100000x128xf32, #tpu.memory_space<hbm>> -> memref<100000x128xf32, #tpu.memory_space<hbm>>
    tpu.wait_indirect_dma semaphore(%arg13 : memref<!tpu.dma_semaphore, #tpu.memory_space<semaphore_mem>>) src(%dma_wait3A_100 : memref<100000x128xf32, #tpu.memory_space<hbm>>) dst(%dma_wait3A_95 : memref<104x128xf32, #tpu.memory_space<vmem>>)
    %dma_wait3A_101 = arith.constant 104 : i32
    %dma_wait3A_102 = arith.constant 0 : i32
    %dma_wait3A_103 = tpu.memref_slice %arg8[%dma_wait3A_101, %dma_wait3A_102] : memref<200x128xf32, #tpu.memory_space<vmem>> -> memref<96x128xf32, #tpu.memory_space<vmem>>
    %dma_wait3A_104 = arith.constant 304 : i32
    %dma_wait3A_105 = tpu.memref_slice %arg11[%dma_wait3A_104] : memref<6400xi32, #tpu.memory_space<vmem>> -> memref<96xi32, #tpu.memory_space<vmem>>
    %dma_wait3A_106 = arith.constant 0 : i32
    %dma_wait3A_107 = arith.constant 0 : i32
    %dma_wait3A_108 = tpu.memref_slice %arg3[%dma_wait3A_106, %dma_wait3A_107] : memref<100000x128xf32, #tpu.memory_space<hbm>> -> memref<100000x128xf32, #tpu.memory_space<hbm>>
    tpu.wait_indirect_dma semaphore(%arg13 : memref<!tpu.dma_semaphore, #tpu.memory_space<semaphore_mem>>) src(%dma_wait3A_108 : memref<100000x128xf32, #tpu.memory_space<hbm>>) dst(%dma_wait3A_103 : memref<96x128xf32, #tpu.memory_space<vmem>>)
    %add3A_109 = arith.constant 200 : i32
    %add3A_110 = arith.addi %mul3A_8, %add3A_109 : i32
    %dma_start3A_111 = arith.constant 0 : i32
    %dma_start3A_112 = tpu.memref_slice %arg5[%add3A_110, %dma_start3A_111] : memref<204800x128xf32, #tpu.memory_space<hbm>> -> memref<200x128xf32, #tpu.memory_space<hbm>>
    %dma_start3A_113 = arith.constant 0 : i32
    %dma_start3A_114 = tpu.memref_slice %arg5[%add3A_110, %dma_start3A_113] : memref<204800x128xf32, #tpu.memory_space<hbm>> -> memref<200x128xf32, #tpu.memory_space<hbm>>
    tpu.enqueue_dma source(%arg8 : memref<200x128xf32, #tpu.memory_space<vmem>>) target(%dma_start3A_114 : memref<200x128xf32, #tpu.memory_space<hbm>>) target_semaphore(%arg17 : memref<!tpu.dma_semaphore, #tpu.memory_space<semaphore_mem>>)
    %dma_wait3A_115 = arith.constant 0 : i32
    %dma_wait3A_116 = arith.constant 0 : i32
    %dma_wait3A_117 = tpu.memref_slice %arg9[%dma_wait3A_115, %dma_wait3A_116] : memref<200x128xf32, #tpu.memory_space<vmem>> -> memref<104x128xf32, #tpu.memory_space<vmem>>
    %dma_wait3A_118 = arith.constant 400 : i32
    %dma_wait3A_119 = tpu.memref_slice %arg11[%dma_wait3A_118] : memref<6400xi32, #tpu.memory_space<vmem>> -> memref<104xi32, #tpu.memory_space<vmem>>
    %dma_wait3A_120 = arith.constant 0 : i32
    %dma_wait3A_121 = arith.constant 0 : i32
    %dma_wait3A_122 = tpu.memref_slice %arg3[%dma_wait3A_120, %dma_wait3A_121] : memref<100000x128xf32, #tpu.memory_space<hbm>> -> memref<100000x128xf32, #tpu.memory_space<hbm>>
    tpu.wait_indirect_dma semaphore(%arg14 : memref<!tpu.dma_semaphore, #tpu.memory_space<semaphore_mem>>) src(%dma_wait3A_122 : memref<100000x128xf32, #tpu.memory_space<hbm>>) dst(%dma_wait3A_117 : memref<104x128xf32, #tpu.memory_space<vmem>>)
    %dma_wait3A_123 = arith.constant 104 : i32
    %dma_wait3A_124 = arith.constant 0 : i32
    %dma_wait3A_125 = tpu.memref_slice %arg9[%dma_wait3A_123, %dma_wait3A_124] : memref<200x128xf32, #tpu.memory_space<vmem>> -> memref<96x128xf32, #tpu.memory_space<vmem>>
    %dma_wait3A_126 = arith.constant 504 : i32
    %dma_wait3A_127 = tpu.memref_slice %arg11[%dma_wait3A_126] : memref<6400xi32, #tpu.memory_space<vmem>> -> memref<96xi32, #tpu.memory_space<vmem>>
    %dma_wait3A_128 = arith.constant 0 : i32
    %dma_wait3A_129 = arith.constant 0 : i32
    %dma_wait3A_130 = tpu.memref_slice %arg3[%dma_wait3A_128, %dma_wait3A_129] : memref<100000x128xf32, #tpu.memory_space<hbm>> -> memref<100000x128xf32, #tpu.memory_space<hbm>>
    tpu.wait_indirect_dma semaphore(%arg14 : memref<!tpu.dma_semaphore, #tpu.memory_space<semaphore_mem>>) src(%dma_wait3A_130 : memref<100000x128xf32, #tpu.memory_space<hbm>>) dst(%dma_wait3A_125 : memref<96x128xf32, #tpu.memory_space<vmem>>)
    %add3A_131 = arith.constant 400 : i32
    %add3A_132 = arith.addi %mul3A_8, %add3A_131 : i32
    %dma_start3A_133 = arith.constant 0 : i32
    %dma_start3A_134 = tpu.memref_slice %arg5[%add3A_132, %dma_start3A_133] : memref<204800x128xf32, #tpu.memory_space<hbm>> -> memref<200x128xf32, #tpu.memory_space<hbm>>
    %dma_start3A_135 = arith.constant 0 : i32
    %dma_start3A_136 = tpu.memref_slice %arg5[%add3A_132, %dma_start3A_135] : memref<204800x128xf32, #tpu.memory_space<hbm>> -> memref<200x128xf32, #tpu.memory_space<hbm>>
    tpu.enqueue_dma source(%arg9 : memref<200x128xf32, #tpu.memory_space<vmem>>) target(%dma_start3A_136 : memref<200x128xf32, #tpu.memory_space<hbm>>) target_semaphore(%arg18 : memref<!tpu.dma_semaphore, #tpu.memory_space<semaphore_mem>>)
    %dma_wait3A_137 = arith.constant 0 : i32
    %dma_wait3A_138 = arith.constant 0 : i32
    %dma_wait3A_139 = tpu.memref_slice %arg10[%dma_wait3A_137, %dma_wait3A_138] : memref<200x128xf32, #tpu.memory_space<vmem>> -> memref<104x128xf32, #tpu.memory_space<vmem>>
    %dma_wait3A_140 = arith.constant 600 : i32
    %dma_wait3A_141 = tpu.memref_slice %arg11[%dma_wait3A_140] : memref<6400xi32, #tpu.memory_space<vmem>> -> memref<104xi32, #tpu.memory_space<vmem>>
    %dma_wait3A_142 = arith.constant 0 : i32
    %dma_wait3A_143 = arith.constant 0 : i32
    %dma_wait3A_144 = tpu.memref_slice %arg3[%dma_wait3A_142, %dma_wait3A_143] : memref<100000x128xf32, #tpu.memory_space<hbm>> -> memref<100000x128xf32, #tpu.memory_space<hbm>>
    tpu.wait_indirect_dma semaphore(%arg15 : memref<!tpu.dma_semaphore, #tpu.memory_space<semaphore_mem>>) src(%dma_wait3A_144 : memref<100000x128xf32, #tpu.memory_space<hbm>>) dst(%dma_wait3A_139 : memref<104x128xf32, #tpu.memory_space<vmem>>)
    %dma_wait3A_145 = arith.constant 104 : i32
    %dma_wait3A_146 = arith.constant 0 : i32
    %dma_wait3A_147 = tpu.memref_slice %arg10[%dma_wait3A_145, %dma_wait3A_146] : memref<200x128xf32, #tpu.memory_space<vmem>> -> memref<96x128xf32, #tpu.memory_space<vmem>>
    %dma_wait3A_148 = arith.constant 704 : i32
    %dma_wait3A_149 = tpu.memref_slice %arg11[%dma_wait3A_148] : memref<6400xi32, #tpu.memory_space<vmem>> -> memref<96xi32, #tpu.memory_space<vmem>>
    %dma_wait3A_150 = arith.constant 0 : i32
    %dma_wait3A_151 = arith.constant 0 : i32
    %dma_wait3A_152 = tpu.memref_slice %arg3[%dma_wait3A_150, %dma_wait3A_151] : memref<100000x128xf32, #tpu.memory_space<hbm>> -> memref<100000x128xf32, #tpu.memory_space<hbm>>
    tpu.wait_indirect_dma semaphore(%arg15 : memref<!tpu.dma_semaphore, #tpu.memory_space<semaphore_mem>>) src(%dma_wait3A_152 : memref<100000x128xf32, #tpu.memory_space<hbm>>) dst(%dma_wait3A_147 : memref<96x128xf32, #tpu.memory_space<vmem>>)
    %add3A_153 = arith.constant 600 : i32
    %add3A_154 = arith.addi %mul3A_8, %add3A_153 : i32
    %dma_start3A_155 = arith.constant 0 : i32
    %dma_start3A_156 = tpu.memref_slice %arg5[%add3A_154, %dma_start3A_155] : memref<204800x128xf32, #tpu.memory_space<hbm>> -> memref<200x128xf32, #tpu.memory_space<hbm>>
    %dma_start3A_157 = arith.constant 0 : i32
    %dma_start3A_158 = tpu.memref_slice %arg5[%add3A_154, %dma_start3A_157] : memref<204800x128xf32, #tpu.memory_space<hbm>> -> memref<200x128xf32, #tpu.memory_space<hbm>>
    tpu.enqueue_dma source(%arg10 : memref<200x128xf32, #tpu.memory_space<vmem>>) target(%dma_start3A_158 : memref<200x128xf32, #tpu.memory_space<hbm>>) target_semaphore(%arg19 : memref<!tpu.dma_semaphore, #tpu.memory_space<semaphore_mem>>)
    %scan3A = arith.constant 0 : i32
    %scan3A_159 = arith.constant 1 : i32
    %scan3A_160 = arith.constant 7 : i32
    %scan3A_161 = arith.addi %scan3A_159, %scan3A_160 : i32
    %scan3A_162 = arith.constant 1 : i32
    %scan3A_163 = scf.for %scan3A_194 = %scan3A_159 to %scan3A_161 step %scan3A_162 iter_args(%scan3A_195 = %scan3A) -> (i32)  : i32 {
      %mul3A_196 = arith.constant 4 : i32
      %mul3A_197 = arith.muli %mul3A_196, %scan3A_194 : i32
      %add3A_198 = arith.addi %mul3A_4, %mul3A_197 : i32
      %mul3A_199 = arith.constant 200 : i32
      %mul3A_200 = arith.muli %add3A_198, %mul3A_199 : i32
      %mul3A_201 = arith.constant 4 : i32
      %mul3A_202 = arith.muli %mul3A_201, %scan3A_194 : i32
      %mul3A_203 = arith.constant 200 : i32
      %mul3A_204 = arith.muli %mul3A_202, %mul3A_203 : i32
      %add3A_205 = arith.constant -800 : i32
      %add3A_206 = arith.addi %mul3A_200, %add3A_205 : i32
      %dma_wait3A_207 = arith.constant 0 : i32
      %dma_wait3A_208 = tpu.memref_slice %arg5[%add3A_206, %dma_wait3A_207] : memref<204800x128xf32, #tpu.memory_space<hbm>> -> memref<200x128xf32, #tpu.memory_space<hbm>>
      %dma_wait3A_209 = arith.constant 0 : i32
      %dma_wait3A_210 = tpu.memref_slice %arg5[%add3A_206, %dma_wait3A_209] : memref<204800x128xf32, #tpu.memory_space<hbm>> -> memref<200x128xf32, #tpu.memory_space<hbm>>
      tpu.wait_dma2 semaphore(%arg16 : memref<!tpu.dma_semaphore, #tpu.memory_space<semaphore_mem>>) src(%arg7 : memref<200x128xf32, #tpu.memory_space<vmem>>) dst(%dma_wait3A_210 : memref<200x128xf32, #tpu.memory_space<hbm>>)
      %add3A_211 = arith.constant 0 : i32
      %add3A_212 = arith.addi %mul3A_204, %add3A_211 : i32
      "tpu.region"() ({
        %run_scoped3A = tpu.sem_alloc : memref<!tpu.dma_semaphore, #tpu.memory_space<semaphore_mem>>
        tpu.enqueue_dma source(%arg6 : memref<200x128xf32, #tpu.memory_space<vmem_shared>>) target(%arg7 : memref<200x128xf32, #tpu.memory_space<vmem>>) target_semaphore(%run_scoped3A : memref<!tpu.dma_semaphore, #tpu.memory_space<semaphore_mem>>)
        tpu.wait_dma2 semaphore(%run_scoped3A : memref<!tpu.dma_semaphore, #tpu.memory_space<semaphore_mem>>) src(%arg6 : memref<200x128xf32, #tpu.memory_space<vmem_shared>>) dst(%arg7 : memref<200x128xf32, #tpu.memory_space<vmem>>)
        tpu.yield
      }) : () -> ()
      %dma_start3A_213 = arith.constant 0 : i32
      %dma_start3A_214 = arith.constant 0 : i32
      %dma_start3A_215 = tpu.memref_slice %arg7[%dma_start3A_213, %dma_start3A_214] : memref<200x128xf32, #tpu.memory_space<vmem>> -> memref<104x128xf32, #tpu.memory_space<vmem>>
      %dma_start3A_216 = tpu.memref_slice %arg11[%add3A_212] : memref<6400xi32, #tpu.memory_space<vmem>> -> memref<104xi32, #tpu.memory_space<vmem>>
      %dma_start3A_217 = arith.constant 0 : i32
      %dma_start3A_218 = arith.constant 0 : i32
      %dma_start3A_219 = tpu.memref_slice %arg3[%dma_start3A_217, %dma_start3A_218] : memref<100000x128xf32, #tpu.memory_space<hbm>> -> memref<100000x128xf32, #tpu.memory_space<hbm>>
      tpu.enqueue_indirect_dma source(%dma_start3A_219 : memref<100000x128xf32, #tpu.memory_space<hbm>>) target(%dma_start3A_215 : memref<104x128xf32, #tpu.memory_space<vmem>>) offsets(%dma_start3A_216 : memref<104xi32, #tpu.memory_space<vmem>>) semaphore(%arg12 : memref<!tpu.dma_semaphore, #tpu.memory_space<semaphore_mem>>) {add = true}
      %add3A_220 = arith.constant 104 : i32
      %add3A_221 = arith.addi %add3A_212, %add3A_220 : i32
      %dma_start3A_222 = arith.constant 104 : i32
      %dma_start3A_223 = arith.constant 0 : i32
      %dma_start3A_224 = tpu.memref_slice %arg7[%dma_start3A_222, %dma_start3A_223] : memref<200x128xf32, #tpu.memory_space<vmem>> -> memref<96x128xf32, #tpu.memory_space<vmem>>
      %dma_start3A_225 = tpu.memref_slice %arg11[%add3A_221] : memref<6400xi32, #tpu.memory_space<vmem>> -> memref<96xi32, #tpu.memory_space<vmem>>
      %dma_start3A_226 = arith.constant 0 : i32
      %dma_start3A_227 = arith.constant 0 : i32
      %dma_start3A_228 = tpu.memref_slice %arg3[%dma_start3A_226, %dma_start3A_227] : memref<100000x128xf32, #tpu.memory_space<hbm>> -> memref<100000x128xf32, #tpu.memory_space<hbm>>
      tpu.enqueue_indirect_dma source(%dma_start3A_228 : memref<100000x128xf32, #tpu.memory_space<hbm>>) target(%dma_start3A_224 : memref<96x128xf32, #tpu.memory_space<vmem>>) offsets(%dma_start3A_225 : memref<96xi32, #tpu.memory_space<vmem>>) semaphore(%arg12 : memref<!tpu.dma_semaphore, #tpu.memory_space<semaphore_mem>>) {add = true}
      %add3A_229 = arith.constant -600 : i32
      %add3A_230 = arith.addi %mul3A_200, %add3A_229 : i32
      %dma_wait3A_231 = arith.constant 0 : i32
      %dma_wait3A_232 = tpu.memref_slice %arg5[%add3A_230, %dma_wait3A_231] : memref<204800x128xf32, #tpu.memory_space<hbm>> -> memref<200x128xf32, #tpu.memory_space<hbm>>
      %dma_wait3A_233 = arith.constant 0 : i32
      %dma_wait3A_234 = tpu.memref_slice %arg5[%add3A_230, %dma_wait3A_233] : memref<204800x128xf32, #tpu.memory_space<hbm>> -> memref<200x128xf32, #tpu.memory_space<hbm>>
      tpu.wait_dma2 semaphore(%arg17 : memref<!tpu.dma_semaphore, #tpu.memory_space<semaphore_mem>>) src(%arg8 : memref<200x128xf32, #tpu.memory_space<vmem>>) dst(%dma_wait3A_234 : memref<200x128xf32, #tpu.memory_space<hbm>>)
      %add3A_235 = arith.constant 200 : i32
      %add3A_236 = arith.addi %mul3A_204, %add3A_235 : i32
      "tpu.region"() ({
        %run_scoped3A = tpu.sem_alloc : memref<!tpu.dma_semaphore, #tpu.memory_space<semaphore_mem>>
        tpu.enqueue_dma source(%arg6 : memref<200x128xf32, #tpu.memory_space<vmem_shared>>) target(%arg8 : memref<200x128xf32, #tpu.memory_space<vmem>>) target_semaphore(%run_scoped3A : memref<!tpu.dma_semaphore, #tpu.memory_space<semaphore_mem>>)
        tpu.wait_dma2 semaphore(%run_scoped3A : memref<!tpu.dma_semaphore, #tpu.memory_space<semaphore_mem>>) src(%arg6 : memref<200x128xf32, #tpu.memory_space<vmem_shared>>) dst(%arg8 : memref<200x128xf32, #tpu.memory_space<vmem>>)
        tpu.yield
      }) : () -> ()
      %dma_start3A_237 = arith.constant 0 : i32
      %dma_start3A_238 = arith.constant 0 : i32
      %dma_start3A_239 = tpu.memref_slice %arg8[%dma_start3A_237, %dma_start3A_238] : memref<200x128xf32, #tpu.memory_space<vmem>> -> memref<104x128xf32, #tpu.memory_space<vmem>>
      %dma_start3A_240 = tpu.memref_slice %arg11[%add3A_236] : memref<6400xi32, #tpu.memory_space<vmem>> -> memref<104xi32, #tpu.memory_space<vmem>>
      %dma_start3A_241 = arith.constant 0 : i32
      %dma_start3A_242 = arith.constant 0 : i32
      %dma_start3A_243 = tpu.memref_slice %arg3[%dma_start3A_241, %dma_start3A_242] : memref<100000x128xf32, #tpu.memory_space<hbm>> -> memref<100000x128xf32, #tpu.memory_space<hbm>>
      tpu.enqueue_indirect_dma source(%dma_start3A_243 : memref<100000x128xf32, #tpu.memory_space<hbm>>) target(%dma_start3A_239 : memref<104x128xf32, #tpu.memory_space<vmem>>) offsets(%dma_start3A_240 : memref<104xi32, #tpu.memory_space<vmem>>) semaphore(%arg13 : memref<!tpu.dma_semaphore, #tpu.memory_space<semaphore_mem>>) {add = true}
      %add3A_244 = arith.constant 104 : i32
      %add3A_245 = arith.addi %add3A_236, %add3A_244 : i32
      %dma_start3A_246 = arith.constant 104 : i32
      %dma_start3A_247 = arith.constant 0 : i32
      %dma_start3A_248 = tpu.memref_slice %arg8[%dma_start3A_246, %dma_start3A_247] : memref<200x128xf32, #tpu.memory_space<vmem>> -> memref<96x128xf32, #tpu.memory_space<vmem>>
      %dma_start3A_249 = tpu.memref_slice %arg11[%add3A_245] : memref<6400xi32, #tpu.memory_space<vmem>> -> memref<96xi32, #tpu.memory_space<vmem>>
      %dma_start3A_250 = arith.constant 0 : i32
      %dma_start3A_251 = arith.constant 0 : i32
      %dma_start3A_252 = tpu.memref_slice %arg3[%dma_start3A_250, %dma_start3A_251] : memref<100000x128xf32, #tpu.memory_space<hbm>> -> memref<100000x128xf32, #tpu.memory_space<hbm>>
      tpu.enqueue_indirect_dma source(%dma_start3A_252 : memref<100000x128xf32, #tpu.memory_space<hbm>>) target(%dma_start3A_248 : memref<96x128xf32, #tpu.memory_space<vmem>>) offsets(%dma_start3A_249 : memref<96xi32, #tpu.memory_space<vmem>>) semaphore(%arg13 : memref<!tpu.dma_semaphore, #tpu.memory_space<semaphore_mem>>) {add = true}
      %add3A_253 = arith.constant -400 : i32
      %add3A_254 = arith.addi %mul3A_200, %add3A_253 : i32
      %dma_wait3A_255 = arith.constant 0 : i32
      %dma_wait3A_256 = tpu.memref_slice %arg5[%add3A_254, %dma_wait3A_255] : memref<204800x128xf32, #tpu.memory_space<hbm>> -> memref<200x128xf32, #tpu.memory_space<hbm>>
      %dma_wait3A_257 = arith.constant 0 : i32
      %dma_wait3A_258 = tpu.memref_slice %arg5[%add3A_254, %dma_wait3A_257] : memref<204800x128xf32, #tpu.memory_space<hbm>> -> memref<200x128xf32, #tpu.memory_space<hbm>>
      tpu.wait_dma2 semaphore(%arg18 : memref<!tpu.dma_semaphore, #tpu.memory_space<semaphore_mem>>) src(%arg9 : memref<200x128xf32, #tpu.memory_space<vmem>>) dst(%dma_wait3A_258 : memref<200x128xf32, #tpu.memory_space<hbm>>)
      %add3A_259 = arith.constant 400 : i32
      %add3A_260 = arith.addi %mul3A_204, %add3A_259 : i32
      "tpu.region"() ({
        %run_scoped3A = tpu.sem_alloc : memref<!tpu.dma_semaphore, #tpu.memory_space<semaphore_mem>>
        tpu.enqueue_dma source(%arg6 : memref<200x128xf32, #tpu.memory_space<vmem_shared>>) target(%arg9 : memref<200x128xf32, #tpu.memory_space<vmem>>) target_semaphore(%run_scoped3A : memref<!tpu.dma_semaphore, #tpu.memory_space<semaphore_mem>>)
        tpu.wait_dma2 semaphore(%run_scoped3A : memref<!tpu.dma_semaphore, #tpu.memory_space<semaphore_mem>>) src(%arg6 : memref<200x128xf32, #tpu.memory_space<vmem_shared>>) dst(%arg9 : memref<200x128xf32, #tpu.memory_space<vmem>>)
        tpu.yield
      }) : () -> ()
      %dma_start3A_261 = arith.constant 0 : i32
      %dma_start3A_262 = arith.constant 0 : i32
      %dma_start3A_263 = tpu.memref_slice %arg9[%dma_start3A_261, %dma_start3A_262] : memref<200x128xf32, #tpu.memory_space<vmem>> -> memref<104x128xf32, #tpu.memory_space<vmem>>
      %dma_start3A_264 = tpu.memref_slice %arg11[%add3A_260] : memref<6400xi32, #tpu.memory_space<vmem>> -> memref<104xi32, #tpu.memory_space<vmem>>
      %dma_start3A_265 = arith.constant 0 : i32
      %dma_start3A_266 = arith.constant 0 : i32
      %dma_start3A_267 = tpu.memref_slice %arg3[%dma_start3A_265, %dma_start3A_266] : memref<100000x128xf32, #tpu.memory_space<hbm>> -> memref<100000x128xf32, #tpu.memory_space<hbm>>
      tpu.enqueue_indirect_dma source(%dma_start3A_267 : memref<100000x128xf32, #tpu.memory_space<hbm>>) target(%dma_start3A_263 : memref<104x128xf32, #tpu.memory_space<vmem>>) offsets(%dma_start3A_264 : memref<104xi32, #tpu.memory_space<vmem>>) semaphore(%arg14 : memref<!tpu.dma_semaphore, #tpu.memory_space<semaphore_mem>>) {add = true}
      %add3A_268 = arith.constant 104 : i32
      %add3A_269 = arith.addi %add3A_260, %add3A_268 : i32
      %dma_start3A_270 = arith.constant 104 : i32
      %dma_start3A_271 = arith.constant 0 : i32
      %dma_start3A_272 = tpu.memref_slice %arg9[%dma_start3A_270, %dma_start3A_271] : memref<200x128xf32, #tpu.memory_space<vmem>> -> memref<96x128xf32, #tpu.memory_space<vmem>>
      %dma_start3A_273 = tpu.memref_slice %arg11[%add3A_269] : memref<6400xi32, #tpu.memory_space<vmem>> -> memref<96xi32, #tpu.memory_space<vmem>>
      %dma_start3A_274 = arith.constant 0 : i32
      %dma_start3A_275 = arith.constant 0 : i32
      %dma_start3A_276 = tpu.memref_slice %arg3[%dma_start3A_274, %dma_start3A_275] : memref<100000x128xf32, #tpu.memory_space<hbm>> -> memref<100000x128xf32, #tpu.memory_space<hbm>>
      tpu.enqueue_indirect_dma source(%dma_start3A_276 : memref<100000x128xf32, #tpu.memory_space<hbm>>) target(%dma_start3A_272 : memref<96x128xf32, #tpu.memory_space<vmem>>) offsets(%dma_start3A_273 : memref<96xi32, #tpu.memory_space<vmem>>) semaphore(%arg14 : memref<!tpu.dma_semaphore, #tpu.memory_space<semaphore_mem>>) {add = true}
      %add3A_277 = arith.constant -200 : i32
      %add3A_278 = arith.addi %mul3A_200, %add3A_277 : i32
      %dma_wait3A_279 = arith.constant 0 : i32
      %dma_wait3A_280 = tpu.memref_slice %arg5[%add3A_278, %dma_wait3A_279] : memref<204800x128xf32, #tpu.memory_space<hbm>> -> memref<200x128xf32, #tpu.memory_space<hbm>>
      %dma_wait3A_281 = arith.constant 0 : i32
      %dma_wait3A_282 = tpu.memref_slice %arg5[%add3A_278, %dma_wait3A_281] : memref<204800x128xf32, #tpu.memory_space<hbm>> -> memref<200x128xf32, #tpu.memory_space<hbm>>
      tpu.wait_dma2 semaphore(%arg19 : memref<!tpu.dma_semaphore, #tpu.memory_space<semaphore_mem>>) src(%arg10 : memref<200x128xf32, #tpu.memory_space<vmem>>) dst(%dma_wait3A_282 : memref<200x128xf32, #tpu.memory_space<hbm>>)
      %add3A_283 = arith.constant 600 : i32
      %add3A_284 = arith.addi %mul3A_204, %add3A_283 : i32
      "tpu.region"() ({
        %run_scoped3A = tpu.sem_alloc : memref<!tpu.dma_semaphore, #tpu.memory_space<semaphore_mem>>
        tpu.enqueue_dma source(%arg6 : memref<200x128xf32, #tpu.memory_space<vmem_shared>>) target(%arg10 : memref<200x128xf32, #tpu.memory_space<vmem>>) target_semaphore(%run_scoped3A : memref<!tpu.dma_semaphore, #tpu.memory_space<semaphore_mem>>)
        tpu.wait_dma2 semaphore(%run_scoped3A : memref<!tpu.dma_semaphore, #tpu.memory_space<semaphore_mem>>) src(%arg6 : memref<200x128xf32, #tpu.memory_space<vmem_shared>>) dst(%arg10 : memref<200x128xf32, #tpu.memory_space<vmem>>)
        tpu.yield
      }) : () -> ()
      %dma_start3A_285 = arith.constant 0 : i32
      %dma_start3A_286 = arith.constant 0 : i32
      %dma_start3A_287 = tpu.memref_slice %arg10[%dma_start3A_285, %dma_start3A_286] : memref<200x128xf32, #tpu.memory_space<vmem>> -> memref<104x128xf32, #tpu.memory_space<vmem>>
      %dma_start3A_288 = tpu.memref_slice %arg11[%add3A_284] : memref<6400xi32, #tpu.memory_space<vmem>> -> memref<104xi32, #tpu.memory_space<vmem>>
      %dma_start3A_289 = arith.constant 0 : i32
      %dma_start3A_290 = arith.constant 0 : i32
      %dma_start3A_291 = tpu.memref_slice %arg3[%dma_start3A_289, %dma_start3A_290] : memref<100000x128xf32, #tpu.memory_space<hbm>> -> memref<100000x128xf32, #tpu.memory_space<hbm>>
      tpu.enqueue_indirect_dma source(%dma_start3A_291 : memref<100000x128xf32, #tpu.memory_space<hbm>>) target(%dma_start3A_287 : memref<104x128xf32, #tpu.memory_space<vmem>>) offsets(%dma_start3A_288 : memref<104xi32, #tpu.memory_space<vmem>>) semaphore(%arg15 : memref<!tpu.dma_semaphore, #tpu.memory_space<semaphore_mem>>) {add = true}
      %add3A_292 = arith.constant 104 : i32
      %add3A_293 = arith.addi %add3A_284, %add3A_292 : i32
      %dma_start3A_294 = arith.constant 104 : i32
      %dma_start3A_295 = arith.constant 0 : i32
      %dma_start3A_296 = tpu.memref_slice %arg10[%dma_start3A_294, %dma_start3A_295] : memref<200x128xf32, #tpu.memory_space<vmem>> -> memref<96x128xf32, #tpu.memory_space<vmem>>
      %dma_start3A_297 = tpu.memref_slice %arg11[%add3A_293] : memref<6400xi32, #tpu.memory_space<vmem>> -> memref<96xi32, #tpu.memory_space<vmem>>
      %dma_start3A_298 = arith.constant 0 : i32
      %dma_start3A_299 = arith.constant 0 : i32
      %dma_start3A_300 = tpu.memref_slice %arg3[%dma_start3A_298, %dma_start3A_299] : memref<100000x128xf32, #tpu.memory_space<hbm>> -> memref<100000x128xf32, #tpu.memory_space<hbm>>
      tpu.enqueue_indirect_dma source(%dma_start3A_300 : memref<100000x128xf32, #tpu.memory_space<hbm>>) target(%dma_start3A_296 : memref<96x128xf32, #tpu.memory_space<vmem>>) offsets(%dma_start3A_297 : memref<96xi32, #tpu.memory_space<vmem>>) semaphore(%arg15 : memref<!tpu.dma_semaphore, #tpu.memory_space<semaphore_mem>>) {add = true}
      %dma_wait3A_301 = arith.constant 0 : i32
      %dma_wait3A_302 = arith.constant 0 : i32
      %dma_wait3A_303 = tpu.memref_slice %arg7[%dma_wait3A_301, %dma_wait3A_302] : memref<200x128xf32, #tpu.memory_space<vmem>> -> memref<104x128xf32, #tpu.memory_space<vmem>>
      %dma_wait3A_304 = tpu.memref_slice %arg11[%add3A_212] : memref<6400xi32, #tpu.memory_space<vmem>> -> memref<104xi32, #tpu.memory_space<vmem>>
      %dma_wait3A_305 = arith.constant 0 : i32
      %dma_wait3A_306 = arith.constant 0 : i32
      %dma_wait3A_307 = tpu.memref_slice %arg3[%dma_wait3A_305, %dma_wait3A_306] : memref<100000x128xf32, #tpu.memory_space<hbm>> -> memref<100000x128xf32, #tpu.memory_space<hbm>>
      tpu.wait_indirect_dma semaphore(%arg12 : memref<!tpu.dma_semaphore, #tpu.memory_space<semaphore_mem>>) src(%dma_wait3A_307 : memref<100000x128xf32, #tpu.memory_space<hbm>>) dst(%dma_wait3A_303 : memref<104x128xf32, #tpu.memory_space<vmem>>)
      %dma_wait3A_308 = arith.constant 104 : i32
      %dma_wait3A_309 = arith.constant 0 : i32
      %dma_wait3A_310 = tpu.memref_slice %arg7[%dma_wait3A_308, %dma_wait3A_309] : memref<200x128xf32, #tpu.memory_space<vmem>> -> memref<96x128xf32, #tpu.memory_space<vmem>>
      %dma_wait3A_311 = tpu.memref_slice %arg11[%add3A_221] : memref<6400xi32, #tpu.memory_space<vmem>> -> memref<96xi32, #tpu.memory_space<vmem>>
      %dma_wait3A_312 = arith.constant 0 : i32
      %dma_wait3A_313 = arith.constant 0 : i32
      %dma_wait3A_314 = tpu.memref_slice %arg3[%dma_wait3A_312, %dma_wait3A_313] : memref<100000x128xf32, #tpu.memory_space<hbm>> -> memref<100000x128xf32, #tpu.memory_space<hbm>>
      tpu.wait_indirect_dma semaphore(%arg12 : memref<!tpu.dma_semaphore, #tpu.memory_space<semaphore_mem>>) src(%dma_wait3A_314 : memref<100000x128xf32, #tpu.memory_space<hbm>>) dst(%dma_wait3A_310 : memref<96x128xf32, #tpu.memory_space<vmem>>)
      %add3A_315 = arith.constant 0 : i32
      %add3A_316 = arith.addi %mul3A_200, %add3A_315 : i32
      %dma_start3A_317 = arith.constant 0 : i32
      %dma_start3A_318 = tpu.memref_slice %arg5[%add3A_316, %dma_start3A_317] : memref<204800x128xf32, #tpu.memory_space<hbm>> -> memref<200x128xf32, #tpu.memory_space<hbm>>
      %dma_start3A_319 = arith.constant 0 : i32
      %dma_start3A_320 = tpu.memref_slice %arg5[%add3A_316, %dma_start3A_319] : memref<204800x128xf32, #tpu.memory_space<hbm>> -> memref<200x128xf32, #tpu.memory_space<hbm>>
      tpu.enqueue_dma source(%arg7 : memref<200x128xf32, #tpu.memory_space<vmem>>) target(%dma_start3A_320 : memref<200x128xf32, #tpu.memory_space<hbm>>) target_semaphore(%arg16 : memref<!tpu.dma_semaphore, #tpu.memory_space<semaphore_mem>>)
      %dma_wait3A_321 = arith.constant 0 : i32
      %dma_wait3A_322 = arith.constant 0 : i32
      %dma_wait3A_323 = tpu.memref_slice %arg8[%dma_wait3A_321, %dma_wait3A_322] : memref<200x128xf32, #tpu.memory_space<vmem>> -> memref<104x128xf32, #tpu.memory_space<vmem>>
      %dma_wait3A_324 = tpu.memref_slice %arg11[%add3A_236] : memref<6400xi32, #tpu.memory_space<vmem>> -> memref<104xi32, #tpu.memory_space<vmem>>
      %dma_wait3A_325 = arith.constant 0 : i32
      %dma_wait3A_326 = arith.constant 0 : i32
      %dma_wait3A_327 = tpu.memref_slice %arg3[%dma_wait3A_325, %dma_wait3A_326] : memref<100000x128xf32, #tpu.memory_space<hbm>> -> memref<100000x128xf32, #tpu.memory_space<hbm>>
      tpu.wait_indirect_dma semaphore(%arg13 : memref<!tpu.dma_semaphore, #tpu.memory_space<semaphore_mem>>) src(%dma_wait3A_327 : memref<100000x128xf32, #tpu.memory_space<hbm>>) dst(%dma_wait3A_323 : memref<104x128xf32, #tpu.memory_space<vmem>>)
      %dma_wait3A_328 = arith.constant 104 : i32
      %dma_wait3A_329 = arith.constant 0 : i32
      %dma_wait3A_330 = tpu.memref_slice %arg8[%dma_wait3A_328, %dma_wait3A_329] : memref<200x128xf32, #tpu.memory_space<vmem>> -> memref<96x128xf32, #tpu.memory_space<vmem>>
      %dma_wait3A_331 = tpu.memref_slice %arg11[%add3A_245] : memref<6400xi32, #tpu.memory_space<vmem>> -> memref<96xi32, #tpu.memory_space<vmem>>
      %dma_wait3A_332 = arith.constant 0 : i32
      %dma_wait3A_333 = arith.constant 0 : i32
      %dma_wait3A_334 = tpu.memref_slice %arg3[%dma_wait3A_332, %dma_wait3A_333] : memref<100000x128xf32, #tpu.memory_space<hbm>> -> memref<100000x128xf32, #tpu.memory_space<hbm>>
      tpu.wait_indirect_dma semaphore(%arg13 : memref<!tpu.dma_semaphore, #tpu.memory_space<semaphore_mem>>) src(%dma_wait3A_334 : memref<100000x128xf32, #tpu.memory_space<hbm>>) dst(%dma_wait3A_330 : memref<96x128xf32, #tpu.memory_space<vmem>>)
      %add3A_335 = arith.constant 200 : i32
      %add3A_336 = arith.addi %mul3A_200, %add3A_335 : i32
      %dma_start3A_337 = arith.constant 0 : i32
      %dma_start3A_338 = tpu.memref_slice %arg5[%add3A_336, %dma_start3A_337] : memref<204800x128xf32, #tpu.memory_space<hbm>> -> memref<200x128xf32, #tpu.memory_space<hbm>>
      %dma_start3A_339 = arith.constant 0 : i32
      %dma_start3A_340 = tpu.memref_slice %arg5[%add3A_336, %dma_start3A_339] : memref<204800x128xf32, #tpu.memory_space<hbm>> -> memref<200x128xf32, #tpu.memory_space<hbm>>
      tpu.enqueue_dma source(%arg8 : memref<200x128xf32, #tpu.memory_space<vmem>>) target(%dma_start3A_340 : memref<200x128xf32, #tpu.memory_space<hbm>>) target_semaphore(%arg17 : memref<!tpu.dma_semaphore, #tpu.memory_space<semaphore_mem>>)
      %dma_wait3A_341 = arith.constant 0 : i32
      %dma_wait3A_342 = arith.constant 0 : i32
      %dma_wait3A_343 = tpu.memref_slice %arg9[%dma_wait3A_341, %dma_wait3A_342] : memref<200x128xf32, #tpu.memory_space<vmem>> -> memref<104x128xf32, #tpu.memory_space<vmem>>
      %dma_wait3A_344 = tpu.memref_slice %arg11[%add3A_260] : memref<6400xi32, #tpu.memory_space<vmem>> -> memref<104xi32, #tpu.memory_space<vmem>>
      %dma_wait3A_345 = arith.constant 0 : i32
      %dma_wait3A_346 = arith.constant 0 : i32
      %dma_wait3A_347 = tpu.memref_slice %arg3[%dma_wait3A_345, %dma_wait3A_346] : memref<100000x128xf32, #tpu.memory_space<hbm>> -> memref<100000x128xf32, #tpu.memory_space<hbm>>
      tpu.wait_indirect_dma semaphore(%arg14 : memref<!tpu.dma_semaphore, #tpu.memory_space<semaphore_mem>>) src(%dma_wait3A_347 : memref<100000x128xf32, #tpu.memory_space<hbm>>) dst(%dma_wait3A_343 : memref<104x128xf32, #tpu.memory_space<vmem>>)
      %dma_wait3A_348 = arith.constant 104 : i32
      %dma_wait3A_349 = arith.constant 0 : i32
      %dma_wait3A_350 = tpu.memref_slice %arg9[%dma_wait3A_348, %dma_wait3A_349] : memref<200x128xf32, #tpu.memory_space<vmem>> -> memref<96x128xf32, #tpu.memory_space<vmem>>
      %dma_wait3A_351 = tpu.memref_slice %arg11[%add3A_269] : memref<6400xi32, #tpu.memory_space<vmem>> -> memref<96xi32, #tpu.memory_space<vmem>>
      %dma_wait3A_352 = arith.constant 0 : i32
      %dma_wait3A_353 = arith.constant 0 : i32
      %dma_wait3A_354 = tpu.memref_slice %arg3[%dma_wait3A_352, %dma_wait3A_353] : memref<100000x128xf32, #tpu.memory_space<hbm>> -> memref<100000x128xf32, #tpu.memory_space<hbm>>
      tpu.wait_indirect_dma semaphore(%arg14 : memref<!tpu.dma_semaphore, #tpu.memory_space<semaphore_mem>>) src(%dma_wait3A_354 : memref<100000x128xf32, #tpu.memory_space<hbm>>) dst(%dma_wait3A_350 : memref<96x128xf32, #tpu.memory_space<vmem>>)
      %add3A_355 = arith.constant 400 : i32
      %add3A_356 = arith.addi %mul3A_200, %add3A_355 : i32
      %dma_start3A_357 = arith.constant 0 : i32
      %dma_start3A_358 = tpu.memref_slice %arg5[%add3A_356, %dma_start3A_357] : memref<204800x128xf32, #tpu.memory_space<hbm>> -> memref<200x128xf32, #tpu.memory_space<hbm>>
      %dma_start3A_359 = arith.constant 0 : i32
      %dma_start3A_360 = tpu.memref_slice %arg5[%add3A_356, %dma_start3A_359] : memref<204800x128xf32, #tpu.memory_space<hbm>> -> memref<200x128xf32, #tpu.memory_space<hbm>>
      tpu.enqueue_dma source(%arg9 : memref<200x128xf32, #tpu.memory_space<vmem>>) target(%dma_start3A_360 : memref<200x128xf32, #tpu.memory_space<hbm>>) target_semaphore(%arg18 : memref<!tpu.dma_semaphore, #tpu.memory_space<semaphore_mem>>)
      %dma_wait3A_361 = arith.constant 0 : i32
      %dma_wait3A_362 = arith.constant 0 : i32
      %dma_wait3A_363 = tpu.memref_slice %arg10[%dma_wait3A_361, %dma_wait3A_362] : memref<200x128xf32, #tpu.memory_space<vmem>> -> memref<104x128xf32, #tpu.memory_space<vmem>>
      %dma_wait3A_364 = tpu.memref_slice %arg11[%add3A_284] : memref<6400xi32, #tpu.memory_space<vmem>> -> memref<104xi32, #tpu.memory_space<vmem>>
      %dma_wait3A_365 = arith.constant 0 : i32
      %dma_wait3A_366 = arith.constant 0 : i32
      %dma_wait3A_367 = tpu.memref_slice %arg3[%dma_wait3A_365, %dma_wait3A_366] : memref<100000x128xf32, #tpu.memory_space<hbm>> -> memref<100000x128xf32, #tpu.memory_space<hbm>>
      tpu.wait_indirect_dma semaphore(%arg15 : memref<!tpu.dma_semaphore, #tpu.memory_space<semaphore_mem>>) src(%dma_wait3A_367 : memref<100000x128xf32, #tpu.memory_space<hbm>>) dst(%dma_wait3A_363 : memref<104x128xf32, #tpu.memory_space<vmem>>)
      %dma_wait3A_368 = arith.constant 104 : i32
      %dma_wait3A_369 = arith.constant 0 : i32
      %dma_wait3A_370 = tpu.memref_slice %arg10[%dma_wait3A_368, %dma_wait3A_369] : memref<200x128xf32, #tpu.memory_space<vmem>> -> memref<96x128xf32, #tpu.memory_space<vmem>>
      %dma_wait3A_371 = tpu.memref_slice %arg11[%add3A_293] : memref<6400xi32, #tpu.memory_space<vmem>> -> memref<96xi32, #tpu.memory_space<vmem>>
      %dma_wait3A_372 = arith.constant 0 : i32
      %dma_wait3A_373 = arith.constant 0 : i32
      %dma_wait3A_374 = tpu.memref_slice %arg3[%dma_wait3A_372, %dma_wait3A_373] : memref<100000x128xf32, #tpu.memory_space<hbm>> -> memref<100000x128xf32, #tpu.memory_space<hbm>>
      tpu.wait_indirect_dma semaphore(%arg15 : memref<!tpu.dma_semaphore, #tpu.memory_space<semaphore_mem>>) src(%dma_wait3A_374 : memref<100000x128xf32, #tpu.memory_space<hbm>>) dst(%dma_wait3A_370 : memref<96x128xf32, #tpu.memory_space<vmem>>)
      %add3A_375 = arith.constant 600 : i32
      %add3A_376 = arith.addi %mul3A_200, %add3A_375 : i32
      %dma_start3A_377 = arith.constant 0 : i32
      %dma_start3A_378 = tpu.memref_slice %arg5[%add3A_376, %dma_start3A_377] : memref<204800x128xf32, #tpu.memory_space<hbm>> -> memref<200x128xf32, #tpu.memory_space<hbm>>
      %dma_start3A_379 = arith.constant 0 : i32
      %dma_start3A_380 = tpu.memref_slice %arg5[%add3A_376, %dma_start3A_379] : memref<204800x128xf32, #tpu.memory_space<hbm>> -> memref<200x128xf32, #tpu.memory_space<hbm>>
      tpu.enqueue_dma source(%arg10 : memref<200x128xf32, #tpu.memory_space<vmem>>) target(%dma_start3A_380 : memref<200x128xf32, #tpu.memory_space<hbm>>) target_semaphore(%arg19 : memref<!tpu.dma_semaphore, #tpu.memory_space<semaphore_mem>>)
      %scan3A_381 = arith.constant 0 : i32
      scf.yield %scan3A_381 : i32
    }
    %scan3A_164 = arith.constant 7 : i32
    %add3A_165 = arith.constant 32 : i32
    %add3A_166 = arith.addi %mul3A_4, %add3A_165 : i32
    %sub3A = arith.constant 4 : i32
    %sub3A_167 = arith.subi %add3A_166, %sub3A : i32
    %mul3A_168 = arith.constant 200 : i32
    %mul3A_169 = arith.muli %sub3A_167, %mul3A_168 : i32
    %add3A_170 = arith.constant 0 : i32
    %add3A_171 = arith.addi %mul3A_169, %add3A_170 : i32
    %dma_wait3A_172 = arith.constant 0 : i32
    %dma_wait3A_173 = tpu.memref_slice %arg5[%add3A_171, %dma_wait3A_172] : memref<204800x128xf32, #tpu.memory_space<hbm>> -> memref<200x128xf32, #tpu.memory_space<hbm>>
    %dma_wait3A_174 = arith.constant 0 : i32
    %dma_wait3A_175 = tpu.memref_slice %arg5[%add3A_171, %dma_wait3A_174] : memref<204800x128xf32, #tpu.memory_space<hbm>> -> memref<200x128xf32, #tpu.memory_space<hbm>>
    tpu.wait_dma2 semaphore(%arg16 : memref<!tpu.dma_semaphore, #tpu.memory_space<semaphore_mem>>) src(%arg7 : memref<200x128xf32, #tpu.memory_space<vmem>>) dst(%dma_wait3A_175 : memref<200x128xf32, #tpu.memory_space<hbm>>)
    %add3A_176 = arith.constant 200 : i32
    %add3A_177 = arith.addi %mul3A_169, %add3A_176 : i32
    %dma_wait3A_178 = arith.constant 0 : i32
    %dma_wait3A_179 = tpu.memref_slice %arg5[%add3A_177, %dma_wait3A_178] : memref<204800x128xf32, #tpu.memory_space<hbm>> -> memref<200x128xf32, #tpu.memory_space<hbm>>
    %dma_wait3A_180 = arith.constant 0 : i32
    %dma_wait3A_181 = tpu.memref_slice %arg5[%add3A_177, %dma_wait3A_180] : memref<204800x128xf32, #tpu.memory_space<hbm>> -> memref<200x128xf32, #tpu.memory_space<hbm>>
    tpu.wait_dma2 semaphore(%arg17 : memref<!tpu.dma_semaphore, #tpu.memory_space<semaphore_mem>>) src(%arg8 : memref<200x128xf32, #tpu.memory_space<vmem>>) dst(%dma_wait3A_181 : memref<200x128xf32, #tpu.memory_space<hbm>>)
    %add3A_182 = arith.constant 400 : i32
    %add3A_183 = arith.addi %mul3A_169, %add3A_182 : i32
    %dma_wait3A_184 = arith.constant 0 : i32
    %dma_wait3A_185 = tpu.memref_slice %arg5[%add3A_183, %dma_wait3A_184] : memref<204800x128xf32, #tpu.memory_space<hbm>> -> memref<200x128xf32, #tpu.memory_space<hbm>>
    %dma_wait3A_186 = arith.constant 0 : i32
    %dma_wait3A_187 = tpu.memref_slice %arg5[%add3A_183, %dma_wait3A_186] : memref<204800x128xf32, #tpu.memory_space<hbm>> -> memref<200x128xf32, #tpu.memory_space<hbm>>
    tpu.wait_dma2 semaphore(%arg18 : memref<!tpu.dma_semaphore, #tpu.memory_space<semaphore_mem>>) src(%arg9 : memref<200x128xf32, #tpu.memory_space<vmem>>) dst(%dma_wait3A_187 : memref<200x128xf32, #tpu.memory_space<hbm>>)
    %add3A_188 = arith.constant 600 : i32
    %add3A_189 = arith.addi %mul3A_169, %add3A_188 : i32
    %dma_wait3A_190 = arith.constant 0 : i32
    %dma_wait3A_191 = tpu.memref_slice %arg5[%add3A_189, %dma_wait3A_190] : memref<204800x128xf32, #tpu.memory_space<hbm>> -> memref<200x128xf32, #tpu.memory_space<hbm>>
    %dma_wait3A_192 = arith.constant 0 : i32
    %dma_wait3A_193 = tpu.memref_slice %arg5[%add3A_189, %dma_wait3A_192] : memref<204800x128xf32, #tpu.memory_space<hbm>> -> memref<200x128xf32, #tpu.memory_space<hbm>>
    tpu.wait_dma2 semaphore(%arg19 : memref<!tpu.dma_semaphore, #tpu.memory_space<semaphore_mem>>) src(%arg10 : memref<200x128xf32, #tpu.memory_space<vmem>>) dst(%dma_wait3A_193 : memref<200x128xf32, #tpu.memory_space<hbm>>)
    return
  }
}

</mosaic_0001>

<sc_bundles>
// kernel: kernel.3.cloned.1.call-start
scs
__scs_entry_jumppad:
0x0: {  	(pc) =	sbr.rel $0x88, $3  }
0x1: {  	(tag) =	ssettag $0x0;
	lr =	simm.s32 $0x1  }
0x2: {  	[smem:$0x3F9E] =	sst lr;
	_ =	strace $0xD0000000  }
0x3: {  	_ = 	snop  }
0x4: {  	_ = 	snop  }
0x5: {  	_ = 	snop  }
0x6: {  	_ = 	snop  }
0x7: {  	_ = 	snop  }
__scs_overlays_trampoline_lowered:
0x8: {  	[smem:$0x3FAD] =	sst s0  }
0x9: {  	[smem:$0x3FAE] =	sst s1  }
0xa: {  	[smem:$0x3FAF] =	sst s2  }
0xb: {  	[smem:$0x3FB0] =	sst s3  }
0xc: {  	[smem:$0x3FB1] =	sst s4  }
0xd: {  	[smem:$0x3FB2] =	sst s5  }
0xe: {  	[smem:$0x3FB3] =	sst s6  }
0xf: {  	[smem:$0x3FB4] =	sst s7  }
0x10: {  	[smem:$0x3FB5] =	sst s8  }
0x11: {  	[smem:$0x3FB6] =	sst s9;
	s0 =	simm.s32 @!p0 $0x0  }
0x12: {  	s1 =	sld [smem:$0x3F9C];
	s0 =	simm.s32 @p0 $0x1  }
0x13: {  	[smem:$0x3FB7] =	sst s0;
	s0 =	simm.s32 @!p1 $0x0  }
0x14: {  	s2 =	sld [smem:$0x3F9B];
	s0 =	simm.s32 @p1 $0x1  }
0x15: {  	[smem:$0x3FB8] =	sst s0;
	s0 =	simm.s32 @!p2 $0x0  }
0x16: {  	s3 =	sld [smem:$0x3FDB];
	s0 =	simm.s32 @p2 $0x1  }
0x17: {  	s4 =	simm.s32 $0x1BF5;
	[smem:$0x3FBA] =	sst s0  }
0x18: {  	s0 =	sld [smem:$0x3F9D];
	_ =	swait.ge [sflag:s4], $0x0  }
0x19: {  	s7 =	sld [smem:$0x3F9E]  }
0x1a: {  	s8 =	sadd.s32 $0xFFFFE003, lr  }
0x1b: {  	s9 =	sadd.s32 $0xFFFFFEF7, lr;
	s5 =	simm.s32 $0xFFFFFFFF;
	p2 =	slt.u32 s8, $0xFFFFF086  }
0x1c: {  	p1 =	slt.u32 s9, $0xF7A;
	s5 =	simm.s32 @!p2 $0x0  }
0x1d: {  	s5 =	simm.s32 @p1 $0x1;
	p0 =	seq.s32 s7, s2  }
0x1e: {  	s7 =	smul.u32 @!p0 $0xF7A, s2;
	p2 =	seq.s32 @!p0 s5, $0x0  }
0x1f: {  	s9 =	smul.u32 $0xF7A, s1;
	s8 =	simm.s32 @!p0 $0x1BF5;
	p2 =	por !p2, p0  }
0x20: {  	[sflag:s8] =	ssyncset.s32 @!p0 $0xFFFFF086;
	s6 =	sadd.s32 @!p0 s3, s7;
	s7 =	simm.s32 @!p0 $0x108  }
0x21: {  	s3 =	sadd.s32 s3, s9;
	s6 =	sadd.s32 @!p0 $0x88, s6;
	s7 =	simm.s32 @p2 $0x1082  }
0x22: {  	[simem:s7], [sflag:s8] =	dma.local @!p0 [hbm:s6], $0xF7A  }
0x23: {  	s9 =	sor.u32 $0xD0000000, s2;
	s6 =	simm.s32 $0x108;
	_ =	swait.ge @!p0 [sflag:s8], $0x0  }
0x24: {  	s3 =	sadd.s32 $0x88, s3;
	s6 =	simm.s32 @!p1 $0x1082;
	[sflag:s4] =	ssyncset.s32 $0xFFFFF086  }
0x25: {  	[simem:s6], [sflag:s4] =	dma.local [hbm:s3], $0xF7A  }
0x26: {  	[smem:$0x3F9E] =	sst s1;
	(tag) =	ssettag s2;
	_ =	strace s9  }
0x27: {  	s1 =	sld [smem:$0x3FAE]  }
0x28: {  	s2 =	sld [smem:$0x3FAF]  }
0x29: {  	s4 =	sld [smem:$0x3FB1]  }
0x2a: {  	p0 =	seq.s32 s5, $0x0;
	s5 =	sld [smem:$0x3FB2]  }
0x2b: {  	s6 =	sld [smem:$0x3FB3]  }
0x2c: {  	s7 =	sld [smem:$0x3FB4]  }
0x2d: {  	s3 =	simm.s32 $0x108;
	s8 =	sld [smem:$0x3FB5]  }
0x2e: {  	s3 =	simm.s32 @!p0 $0x1082;
	s9 =	sld [smem:$0x3FB6]  }
0x2f: {  	lr =	sadd.s32 s0, s3;
	s0 =	sld [smem:$0x3FAD]  }
0x30: {  	s3 =	sld [smem:$0x3FB0]  }
0x31: {  	[smem:$0x3FB9] =	sst s10  }
0x32: {  	s10 =	sld [smem:$0x3FB7];
	_ =	sdelay $0x3  }
0x33: {  	p0 =	seq.s32 s10, $0x1;
	s10 =	sld [smem:$0x3FB9];
	_ =	sdelay $0x3  }
0x34: {  	[smem:$0x3FB9] =	sst s10  }
0x35: {  	s10 =	sld [smem:$0x3FB8];
	_ =	sdelay $0x3  }
0x36: {  	p1 =	seq.s32 s10, $0x1;
	s10 =	sld [smem:$0x3FB9];
	_ =	sdelay $0x3  }
0x37: {  	[smem:$0x3FB9] =	sst s10  }
0x38: {  	s10 =	sld [smem:$0x3FBA]  }
0x39: {  	_ = 	snop;
	(pc) =	sbr.ind lr, $3  }
0x3a: {  	_ = 	snop  }
0x3b: {  	_ = 	snop  }
0x3c: {  	p2 =	seq.s32 s10, $0x1;
	s10 =	sld [smem:$0x3FB9]  }
0x3d: {  	_ =	shalt  }
0x3e: {  	_ =	shalt  }
0x3f: {  	_ =	shalt  }
0x40: {  	_ =	shalt  }
0x41: {  	_ =	shalt  }
0x42: {  	_ =	shalt  }
0x43: {  	_ =	shalt  }
0x44: {  	_ =	shalt  }
0x45: {  	_ =	shalt  }
0x46: {  	_ =	shalt  }
0x47: {  	_ =	shalt  }
0x48: {  	_ =	shalt  }
0x49: {  	_ =	shalt  }
0x4a: {  	_ =	shalt  }
0x4b: {  	_ =	shalt  }
0x4c: {  	_ =	shalt  }
0x4d: {  	_ =	shalt  }
0x4e: {  	_ =	shalt  }
0x4f: {  	_ =	shalt  }
0x50: {  	_ =	shalt  }
0x51: {  	_ =	shalt  }
0x52: {  	_ =	shalt  }
0x53: {  	_ =	shalt  }
0x54: {  	_ =	shalt  }
0x55: {  	_ =	shalt  }
0x56: {  	_ =	shalt  }
0x57: {  	_ =	shalt  }
0x58: {  	_ =	shalt  }
0x59: {  	_ =	shalt  }
0x5a: {  	_ =	shalt  }
0x5b: {  	_ =	shalt  }
0x5c: {  	_ =	shalt  }
0x5d: {  	_ =	shalt  }
0x5e: {  	_ =	shalt  }
0x5f: {  	_ =	shalt  }
0x60: {  	_ =	shalt  }
0x61: {  	_ =	shalt  }
0x62: {  	_ =	shalt  }
0x63: {  	_ =	shalt  }
0x64: {  	_ =	shalt  }
0x65: {  	_ =	shalt  }
0x66: {  	_ =	shalt  }
0x67: {  	_ =	shalt  }
0x68: {  	_ =	shalt  }
0x69: {  	_ =	shalt  }
0x6a: {  	_ =	shalt  }
0x6b: {  	_ =	shalt  }
0x6c: {  	_ =	shalt  }
0x6d: {  	_ =	shalt  }
0x6e: {  	_ =	shalt  }
0x6f: {  	_ =	shalt  }
0x70: {  	_ =	shalt  }
0x71: {  	_ =	shalt  }
0x72: {  	_ =	shalt  }
0x73: {  	_ =	shalt  }
0x74: {  	_ =	shalt  }
0x75: {  	_ =	shalt  }
0x76: {  	_ =	shalt  }
0x77: {  	_ =	shalt  }
0x78: {  	_ =	shalt  }
0x79: {  	_ =	shalt  }
0x7a: {  	_ =	shalt  }
0x7b: {  	_ =	shalt  }
0x7c: {  	_ =	shalt  }
0x7d: {  	_ =	shalt  }
0x7e: {  	_ =	shalt  }
0x7f: {  	_ =	shalt  }
0x80: {  	_ =	shalt  }
0x81: {  	_ =	shalt  }
0x82: {  	_ =	shalt  }
0x83: {  	_ =	shalt  }
0x84: {  	_ =	shalt  }
0x85: {  	_ =	shalt  }
0x86: {  	_ =	shalt  }
0x87: {  	_ =	shalt  }
.Lfunc_end0:
.L_simem_size_0:
called_computation_lowered:
.L_overlay_start_0:
0x88: {  	s2 =	sld [smem:$0x3FD9]  }
0x89: {  	s3 =	sld [smem:$0x3FFE];
	_ =	sdelay $0x1  }
0x8a: {  	s1 =	srdreg.scid  }
0x8b: {  	s0 =	sand.u32 $0x1, s1  }
0x8c: {  	s17 =	sshll.u32 s0, $0xA;
	s2 =	sadd.s32 s3, s2  }
0x8d: {  	s2 =	sadd.s32 s2, s17  }
0x8e: {  	[smem:$0x3FC5] =	sst s2  }
0x8f: {  	_ = 	snop  }
0x90: {  	s2 =	sld [smem:$0x3FC8]  }
0x91: {  	s18 =	sld [smem:$0x3FC7]  }
0x92: {  	s4 =	sld [smem:$0x3FD0];
	(tm) =	ssettm $0x1  }
0x93: {  	s5 =	sld [smem:$0x3FFB];
	_ =	sdelay $0x3  }
0x94: {  	_ =	strace s5  }
0x95: {  	s5 =	sld [smem:$0x3FFC];
	_ =	sdelay $0x3  }
0x96: {  	_ =	strace s5  }
0x97: {  	s5 =	sld [smem:$0x3FFD];
	_ =	sdelay $0x3  }
0x98: {  	_ =	strace s5  }
0x99: {  	_ =	strace $0x8FFFFFFF  }
0x9a: {  	s19 =	sld [smem:$0x3FDB];
	_ =	sdelay $0x1  }
0x9b: {  	s6 =	simm.s32 $_scs_section_size  }
0x9c: {  	s7 =	simm.s32 $_size__tile_overlayer_lowered;
	s8 =	simm.s32 $_tile_overlayer_lowered  }
0x9d: {  	s22 =	simm.s32 $0x1BFF;
	s21 =	sshll.u32 s8, $0x1;
	s5 =	sadd.s32 s6, s19  }
0x9e: {  	s9 =	simm.s32 $0x0;
	s20 =	sshll.u32 s7, $0x1;
	s7 =	sadd.s32 s21, s5  }
0x9f: {  	[timem:s9], [sflag:s22] =	dma.local [hbm:s7], s20  }
0xa0: {  	_ =	swait.ge [sflag:s22], s20  }
0xa1: {  	s6 =	ssub.s32 $0x0, s20;
	[sflag:s22] =	ssyncset.done $0x0  }
0xa2: {  	[sflag:s22] =	ssyncadd.s32 s6;
	_ =	sdelay $0x1  }
0xa3: {  	s23 =	simm.s32 $0x1B8B  }
0xa4: {  	_ =	swait.ge [sflag:s23], $0x1  }
0xa5: {  	[sflag:s23] =	ssyncset.done $0x0  }
0xa6: {  	s25 =	simm.s32 $0x1B8E;
	s24 =	sld [smem:$0x3FFE];
	[sflag:s23] =	ssyncadd.s32 $0xFFFFFFFF  }
0xa7: {  	s26 =	simm.s32 $execute0_lowered;
	[smem:$0x3FD2] =	sst s25  }
0xa8: {  	s7 =	sshll.u32 s26, $0x1;
	_ =	strace $0x80000046;
	[dreg:$0x1] =	wrdreg $0xFFFFFFFF  }
0xa9: {  	s28 =	simm.s32 $_size_execute0_lowered;
	s5 =	sadd.s32 s5, s7;
	[dreg:$0x0] =	wrdreg $0x0  }
0xaa: {  	s7 =	sshll.u32 s28, $0x1;
	[dreg:$0x2] =	wrdreg s5  }
0xab: {  	[dreg:$0x3] =	wrdreg s7  }
0xac: {  	[dreg:$0x4] =	wrdreg $0xC0  }
0xad: {  	_ =	task [dreg:s9], $0x5FFFF  }
0xae: {  	[dreg:$0x1] =	wrdreg $0xFFFFFFFF  }
0xaf: {  	[dreg:$0x0] =	wrdreg $0x60  }
0xb0: {  	[dreg:$0x2] =	wrdreg s24  }
0xb1: {  	[dreg:$0x3] =	wrdreg s2  }
0xb2: {  	[dreg:$0x4] =	wrdreg s18  }
0xb3: {  	[dreg:$0x5] =	wrdreg s4  }
0xb4: {  	[dreg:$0x6] =	wrdreg $0x0  }
0xb5: {  	[dreg:$0x7] =	wrdreg $0x9  }
0xb6: {  	_ =	task.clear_ibuf [dreg:s9], $0x8FFFF;
	_ =	strace $0x90000046  }
0xb7: {  	s29 =	simm.s32 $0x9;
	_ =	strace $0x80000048  }
0xb8: {  	_ =	swait.ge [sflag:s29], $0x1  }
0xb9: {  	[sflag:s29] =	ssyncadd.s32 $0xFFFFFFFF  }
0xba: {  	_ =	strace $0x90000048  }
0xbb: {  	_ =	sfence  }
0xbc: {  	s30 =	sld [smem:$0x0];
	_ =	sdelay $0x2  }
0xbd: {  	s31 =	sshll.u32 s1, $0xD;
	s1 =	sshrl.u32 s1, $0x2  }
0xbe: {  	s3 =	sand.u32 $0x4000, s31;
	s1 =	sadd.s32 s1, s30  }
0xbf: {  	s0 =	sor.u32 s3, s0;
	s1 =	sshll.u32 s1, $0x11  }
0xc0: {  	s0 =	sor.u32 s1, s0  }
0xc1: {  	s0 =	sadd.s32 $0x8F2B, s0  }
0xc2: {  	[sflag:s0] =	ssyncadd.remote.s32 $0x1  }
0xc3: {  	_ =	sfence.sel $0xFFFF  }
0xc4: {  	[dreg:$0x0] =	wrdreg $0xFFFFFFFF;
	(pc) =	sbr.abs _section_cstart, $3  }
0xc5: {  	[dreg:$0x1] =	wrdreg $0xFFFFFFFF  }
0xc6: {  	_ =	task.clear_ibuf [dreg:s9], $0x2FFFF;
	_ =	strace $0x9FFFFFFF  }
0xc7: {  	(tm) =	ssettm $0x7FFFFFFF  }
tec
execute0_lowered:
.L_overlay_start_1:
0x0: {  	(tag) =	ssettag $0x1  }
0x1: {  	s1 =	rddreg [dreg:$0x0]  }
0x2: {  	s0 =	rddreg [dreg:$0x1];
	s2 =	srdreg.scid  }
0x3: {  	s5 =	stileid.u32;
	s6 =	rddreg [dreg:$0x3]  }
0x4: {  	s4 =	simm.s32 $0x0;
	s28 =	simm.s32 $0xCE40;
	s11 =	smul.u32 $0x190000, s5  }
0x5: {  	s31 =	simm.s32 $0x10240;
	s2 =	sand.u32 $0x1, s2;
	s23 =	smul.u32 $0x32000, s5  }
0x6: {  	s29 =	simm.s32 $0x2;
	s3 =	sshll.u32 s5, $0x1;
	s12 =	smul.u32 $0xC8000, s2  }
0x7: {  	s7 =	sor.u32 s2, s3;
	s10 =	ssub.s32 $0x2, s2;
	s2 =	smul.u32 $0x19000, s2  }
0x8: {  	s30 =	simm.s32 $0x3;
	[smem:$0x7FF] =	sst s4;
	s8 =	smul.u32 $0x320, s7  }
0x9: {  	p0 =	sne.s32 s5, $0x0;
	s5 =	simm.s32 $0x6;
	s9 =	smul.u32 $0x19000, s7  }
0xa: {  	s3 =	rddreg [dreg:$0x4];
	_ =	strace $0x80000047;
	s7 =	smul.u32 $0xC8000, s7  }
0xb: {  	s15 =	sshrl.u32 s10, $0x1;
	s25 =	sadd.s32 s23, s6;
	s23 =	simm.s32 $0x6A40  }
0xc: {  	s17 =	sadd.s32 s12, s11;
	s26 =	sadd.s32 s2, s25;
	s2 =	simm.s32 $0x13240  }
0xd: {  	s25 =	simm.s32 $0x1;
	s1 =	sadd.s32 s8, s1;
	s8 =	ssub.s32 s10, s15  }
0xe: {  	s16 =	sshrl.u32 s7, $0x3;
	s9 =	sadd.s32 s6, s9;
	s19 =	sadd.s32 $0x2BC00, s17  }
0xf: {  	s22 =	sadd.s32 $0x25800, s17;
	s7 =	sadd.s32 $0x1F400, s17;
	s17 =	simm.s32 $0x9  }
0x10: {  	s1 =	sadd.s32 $0x400, s1;
	[dreg:$0x7] =	wrdreg s9;
	s9 =	sadd.s32 $0xC80, s9  }
0x11: {  	s20 =	smax.u32 s8, $0x1;
	s21 =	sshrl.u32 s19, $0x3;
	s24 =	sshrl.u32 s7, $0x3  }
0x12: {  	s19 =	simm.s32 $0x68;
	s7 =	simm.s32 $0x7;
	[dreg:$0x6] =	wrdreg s1  }
0x13: {  	s8 =	simm.s32 $0x8;
	s1 =	sadd.s32 s6, s16;
	[dreg:$0x8] =	wrdreg s9  }
0x14: {  	[dreg:$0xb] =	wrdreg s20;
	s18 =	sadd.s32 $0x1900, s1;
	s1 =	sadd.s32 $0x2580, s1  }
0x15: {  	s20 =	simm.s32 $0x60;
	[dreg:$0xa] =	wrdreg s1;
	s1 =	sadd.s32 s21, s6  }
0x16: {  	s9 =	simm.s32 $0x0;
	[dreg:$0xc] =	wrdreg s1;
	s1 =	sshrl.u32 s22, $0x3  }
0x17: {  	[dreg:$0x9] =	wrdreg s18;
	s18 =	simm.s32 $0x640;
	s1 =	sadd.s32 s1, s6  }
0x18: {  	s21 =	simm.s32 $0x5;
	[dreg:$0xd] =	wrdreg s1;
	s1 =	sadd.s32 s24, s6  }
0x19: {  	s22 =	simm.s32 $0x3A40;
	[dreg:$0xe] =	wrdreg s1;
	s1 =	sadd.s32 $0x3200, s26  }
0x1a: {  	s24 =	simm.s32 $0x16640;
	[dreg:$0xf] =	wrdreg s1;
	s1 =	sshrl.u32 @!p0 s3, $0x3  }
0x1b: {  	s26 =	simm.s32 $0x9E40;
	[dreg:$0x10] =	wrdreg s1;
	s1 =	simm.s32 $0x4  }
.LBB2_1:
0x1c: {  	s10 =	rddreg [dreg:$0x2]  }
0x1d: {  	s6 =	simm.s32 @!p0 $0x1C09;
	s11 =	rddreg [dreg:$0x10]  }
0x1e: {  	[spmem:s11], [sflag:s6] =	dma.local @!p0 [hbm:s10], $0xC80  }
0x1f: {  	s6 =	simm.s32 @!p0 $0x9  }
0x20: {  	_ =	swait.ge @!p0 [sflag:s6], $0xC80  }
0x21: {  	[sflag:s6] =	ssyncset.done @!p0 $0x0  }
0x22: {  	[sflag:s6] =	ssyncadd.s32 @!p0 $0xFFFFF380  }
0x23: {  	[bflag:$0x0] =	sbarrier.arrive $0xFFFF  }
0x24: {  	s14 =	simm.s32 $0x19640;
	s13 =	rddreg [dreg:$0x6]  }
0x25: {  	[tilespmem:s14], [sflag:$0x9] =	stream.linear.gather [hbm4b:s13+s4], $0x1900, $0x38;
	[tilespmem:$0x1AF40] =	vst v63  }
0x26: {  	_ =	swait.ge [sflag:s17], $0x1900  }
0x27: {  	[sflag:s17] =	ssyncset.done $0x0  }
0x28: {  	[sflag:s17] =	ssyncadd.s32 $0xFFFFE700  }
0x29: {  	[tilespmem:s18], [sflag:$0x9] =	stream.linear.gather [spmem:s3], $0x6400, $0x38;
	[tilespmem:$0x1AF40] =	vst v63  }
0x2a: {  	_ =	swait.ge [sflag:s17], $0x6400  }
0x2b: {  	[sflag:s17] =	ssyncset.done $0x0  }
0x2c: {  	[sflag:s17] =	ssyncadd.s32 $0xFFFF9C00  }
0x2d: {  	[tilespmem:s18], [sflag:$0x1] =	stream.indirect.gather.add.f32 [hbm:s0], $0x80, s14, s19, $0xb8;
	[tilespmem:$0x1AF40] =	vst v63  }
0x2e: {  	s15 =	simm.s32 $0x196A8  }
0x2f: {  	[tilespmem:s22], [sflag:$0x1] =	stream.indirect.gather.add.f32 [hbm:s0], $0x80, s15, s20, $0xb8;
	[tilespmem:$0x1AF40] =	vst v63  }
0x30: {  	_ = 	snop  }
0x31: {  	[tilespmem:s23], [sflag:$0x9] =	stream.linear.gather [spmem:s3], $0x6400, $0x38;
	[tilespmem:$0x1AF40] =	vst v63  }
0x32: {  	_ =	swait.ge [sflag:s17], $0x6400  }
0x33: {  	[sflag:s17] =	ssyncset.done $0x0  }
0x34: {  	s16 =	simm.s32 $0x19708;
	[sflag:s17] =	ssyncadd.s32 $0xFFFF9C00  }
0x35: {  	[tilespmem:s23], [sflag:$0x2] =	stream.indirect.gather.add.f32 [hbm:s0], $0x80, s16, s19, $0xb8;
	[tilespmem:$0x1AF40] =	vst v63  }
0x36: {  	s10 =	simm.s32 $0x19770  }
0x37: {  	[tilespmem:s26], [sflag:$0x2] =	stream.indirect.gather.add.f32 [hbm:s0], $0x80, s10, s20, $0xb8;
	[tilespmem:$0x1AF40] =	vst v63  }
0x38: {  	_ = 	snop  }
0x39: {  	[tilespmem:s28], [sflag:$0x9] =	stream.linear.gather [spmem:s3], $0x6400, $0x38;
	[tilespmem:$0x1AF40] =	vst v63  }
0x3a: {  	_ =	swait.ge [sflag:s17], $0x6400  }
0x3b: {  	[sflag:s17] =	ssyncset.done $0x0  }
0x3c: {  	s11 =	simm.s32 $0x197D0;
	[sflag:s17] =	ssyncadd.s32 $0xFFFF9C00  }
0x3d: {  	[tilespmem:s28], [sflag:$0x3] =	stream.indirect.gather.add.f32 [hbm:s0], $0x80, s11, s19, $0xb8;
	[tilespmem:$0x1AF40] =	vst v63  }
0x3e: {  	s12 =	simm.s32 $0x19838  }
0x3f: {  	[tilespmem:s31], [sflag:$0x3] =	stream.indirect.gather.add.f32 [hbm:s0], $0x80, s12, s20, $0xb8;
	[tilespmem:$0x1AF40] =	vst v63  }
0x40: {  	_ = 	snop  }
0x41: {  	[tilespmem:s2], [sflag:$0x9] =	stream.linear.gather [spmem:s3], $0x6400, $0x38;
	[tilespmem:$0x1AF40] =	vst v63  }
0x42: {  	_ =	swait.ge [sflag:s17], $0x6400  }
0x43: {  	[sflag:s17] =	ssyncset.done $0x0  }
0x44: {  	s13 =	simm.s32 $0x19898;
	[sflag:s17] =	ssyncadd.s32 $0xFFFF9C00  }
0x45: {  	[tilespmem:s2], [sflag:$0x4] =	stream.indirect.gather.add.f32 [hbm:s0], $0x80, s13, s19, $0xb8;
	[tilespmem:$0x1AF40] =	vst v63  }
0x46: {  	s14 =	simm.s32 $0x19900  }
0x47: {  	[tilespmem:s24], [sflag:$0x4] =	stream.indirect.gather.add.f32 [hbm:s0], $0x80, s14, s20, $0xb8;
	[tilespmem:$0x1AF40] =	vst v63  }
0x48: {  	_ =	swait.ge [sflag:s25], $0x3400  }
0x49: {  	[sflag:s25] =	ssyncset.done $0x0  }
0x4a: {  	[sflag:s25] =	ssyncadd.s32 $0xFFFFCC00  }
0x4b: {  	_ =	swait.ge [sflag:s25], $0x3000  }
0x4c: {  	[sflag:s25] =	ssyncset.done $0x0  }
0x4d: {  	s15 =	rddreg [dreg:$0x7];
	[sflag:s25] =	ssyncadd.s32 $0xFFFFD000  }
0x4e: {  	[hbm4b:s15+s4] =	stream.linear.scatter [tilespmem:s18], [sflag:$0x5], $0x6400, $0x38;
	[tilespmem:$0x1AF40] =	vst v63  }
0x4f: {  	_ =	swait.ge [sflag:s29], $0x3400  }
0x50: {  	[sflag:s29] =	ssyncset.done $0x0  }
0x51: {  	[sflag:s29] =	ssyncadd.s32 $0xFFFFCC00  }
0x52: {  	_ =	swait.ge [sflag:s29], $0x3000  }
0x53: {  	[sflag:s29] =	ssyncset.done $0x0  }
0x54: {  	s16 =	rddreg [dreg:$0x8];
	[sflag:s29] =	ssyncadd.s32 $0xFFFFD000  }
0x55: {  	[hbm4b:s16+s4] =	stream.linear.scatter [tilespmem:s23], [sflag:$0x6], $0x6400, $0x38;
	[tilespmem:$0x1AF40] =	vst v63  }
0x56: {  	_ =	swait.ge [sflag:s30], $0x3400  }
0x57: {  	[sflag:s30] =	ssyncset.done $0x0  }
0x58: {  	[sflag:s30] =	ssyncadd.s32 $0xFFFFCC00  }
0x59: {  	_ =	swait.ge [sflag:s30], $0x3000  }
0x5a: {  	[sflag:s30] =	ssyncset.done $0x0  }
0x5b: {  	s10 =	rddreg [dreg:$0x9];
	[sflag:s30] =	ssyncadd.s32 $0xFFFFD000  }
0x5c: {  	[hbm4b:s10+s4] =	stream.linear.scatter [tilespmem:s28], [sflag:$0x7], $0x6400, $0x38;
	[tilespmem:$0x1AF40] =	vst v63  }
0x5d: {  	_ =	swait.ge [sflag:s1], $0x3400  }
0x5e: {  	[sflag:s1] =	ssyncset.done $0x0  }
0x5f: {  	[sflag:s1] =	ssyncadd.s32 $0xFFFFCC00  }
0x60: {  	_ =	swait.ge [sflag:s1], $0x3000  }
0x61: {  	[sflag:s1] =	ssyncset.done $0x0  }
0x62: {  	s11 =	rddreg [dreg:$0xa];
	[sflag:s1] =	ssyncadd.s32 $0xFFFFD000  }
0x63: {  	[hbm4b:s11+s4] =	stream.linear.scatter [tilespmem:s2], [sflag:$0x8], $0x6400, $0x38;
	[tilespmem:$0x1AF40] =	vst v63  }
0x64: {  	_ =	swait.ge [sflag:s21], $0x6400  }
0x65: {  	[sflag:s21] =	ssyncset.done $0x0  }
0x66: {  	[sflag:s21] =	ssyncadd.s32 $0xFFFF9C00  }
0x67: {  	[tilespmem:s18], [sflag:$0x9] =	stream.linear.gather [spmem:s3], $0x6400, $0x38;
	[tilespmem:$0x1AF40] =	vst v63  }
0x68: {  	_ =	swait.ge [sflag:s17], $0x6400  }
0x69: {  	[sflag:s17] =	ssyncset.done $0x0  }
0x6a: {  	s12 =	simm.s32 $0x19960;
	[sflag:s17] =	ssyncadd.s32 $0xFFFF9C00  }
0x6b: {  	[tilespmem:s18], [sflag:$0x1] =	stream.indirect.gather.add.f32 [hbm:s0], $0x80, s12, s19, $0xb8;
	[tilespmem:$0x1AF40] =	vst v63  }
0x6c: {  	s13 =	simm.s32 $0x199C8  }
0x6d: {  	[tilespmem:s22], [sflag:$0x1] =	stream.indirect.gather.add.f32 [hbm:s0], $0x80, s13, s20, $0xb8;
	[tilespmem:$0x1AF40] =	vst v63  }
0x6e: {  	_ =	swait.ge [sflag:s5], $0x6400  }
0x6f: {  	[sflag:s5] =	ssyncset.done $0x0  }
0x70: {  	[sflag:s5] =	ssyncadd.s32 $0xFFFF9C00  }
0x71: {  	[tilespmem:s23], [sflag:$0x9] =	stream.linear.gather [spmem:s3], $0x6400, $0x38;
	[tilespmem:$0x1AF40] =	vst v63  }
0x72: {  	_ =	swait.ge [sflag:s17], $0x6400  }
0x73: {  	[sflag:s17] =	ssyncset.done $0x0  }
0x74: {  	s14 =	simm.s32 $0x19A28;
	[sflag:s17] =	ssyncadd.s32 $0xFFFF9C00  }
0x75: {  	[tilespmem:s23], [sflag:$0x2] =	stream.indirect.gather.add.f32 [hbm:s0], $0x80, s14, s19, $0xb8;
	[tilespmem:$0x1AF40] =	vst v63  }
0x76: {  	s15 =	simm.s32 $0x19A90  }
0x77: {  	[tilespmem:s26], [sflag:$0x2] =	stream.indirect.gather.add.f32 [hbm:s0], $0x80, s15, s20, $0xb8;
	[tilespmem:$0x1AF40] =	vst v63  }
0x78: {  	_ =	swait.ge [sflag:s7], $0x6400  }
0x79: {  	[sflag:s7] =	ssyncset.done $0x0  }
0x7a: {  	[sflag:s7] =	ssyncadd.s32 $0xFFFF9C00  }
0x7b: {  	[tilespmem:s28], [sflag:$0x9] =	stream.linear.gather [spmem:s3], $0x6400, $0x38;
	[tilespmem:$0x1AF40] =	vst v63  }
0x7c: {  	_ =	swait.ge [sflag:s17], $0x6400  }
0x7d: {  	[sflag:s17] =	ssyncset.done $0x0  }
0x7e: {  	s16 =	simm.s32 $0x19AF0;
	[sflag:s17] =	ssyncadd.s32 $0xFFFF9C00  }
0x7f: {  	[tilespmem:s28], [sflag:$0x3] =	stream.indirect.gather.add.f32 [hbm:s0], $0x80, s16, s19, $0xb8;
	[tilespmem:$0x1AF40] =	vst v63  }
0x80: {  	s10 =	simm.s32 $0x19B58  }
0x81: {  	[tilespmem:s31], [sflag:$0x3] =	stream.indirect.gather.add.f32 [hbm:s0], $0x80, s10, s20, $0xb8;
	[tilespmem:$0x1AF40] =	vst v63  }
0x82: {  	_ =	swait.ge [sflag:s8], $0x6400  }
0x83: {  	[sflag:s8] =	ssyncset.done $0x0  }
0x84: {  	[sflag:s8] =	ssyncadd.s32 $0xFFFF9C00  }
0x85: {  	[tilespmem:s2], [sflag:$0x9] =	stream.linear.gather [spmem:s3], $0x6400, $0x38;
	[tilespmem:$0x1AF40] =	vst v63  }
0x86: {  	_ =	swait.ge [sflag:s17], $0x6400  }
0x87: {  	[sflag:s17] =	ssyncset.done $0x0  }
0x88: {  	s11 =	simm.s32 $0x19BB8;
	[sflag:s17] =	ssyncadd.s32 $0xFFFF9C00  }
0x89: {  	[tilespmem:s2], [sflag:$0x4] =	stream.indirect.gather.add.f32 [hbm:s0], $0x80, s11, s19, $0xb8;
	[tilespmem:$0x1AF40] =	vst v63  }
0x8a: {  	s12 =	simm.s32 $0x19C20  }
0x8b: {  	[tilespmem:s24], [sflag:$0x4] =	stream.indirect.gather.add.f32 [hbm:s0], $0x80, s12, s20, $0xb8;
	[tilespmem:$0x1AF40] =	vst v63  }
0x8c: {  	_ =	swait.ge [sflag:s25], $0x3400  }
0x8d: {  	[sflag:s25] =	ssyncset.done $0x0  }
0x8e: {  	[sflag:s25] =	ssyncadd.s32 $0xFFFFCC00  }
0x8f: {  	_ =	swait.ge [sflag:s25], $0x3000  }
0x90: {  	[sflag:s25] =	ssyncset.done $0x0  }
0x91: {  	s12 =	rddreg [dreg:$0xf];
	[sflag:s25] =	ssyncadd.s32 $0xFFFFD000  }
0x92: {  	[hbm4b:s12+s4] =	stream.linear.scatter [tilespmem:s18], [sflag:$0x5], $0x6400, $0x38;
	[tilespmem:$0x1AF40] =	vst v63  }
0x93: {  	_ =	swait.ge [sflag:s29], $0x3400  }
0x94: {  	[sflag:s29] =	ssyncset.done $0x0  }
0x95: {  	[sflag:s29] =	ssyncadd.s32 $0xFFFFCC00  }
0x96: {  	_ =	swait.ge [sflag:s29], $0x3000  }
0x97: {  	[sflag:s29] =	ssyncset.done $0x0  }
0x98: {  	s13 =	rddreg [dreg:$0xe];
	[sflag:s29] =	ssyncadd.s32 $0xFFFFD000  }
0x99: {  	[hbm4b:s13+s4] =	stream.linear.scatter [tilespmem:s23], [sflag:$0x6], $0x6400, $0x38;
	[tilespmem:$0x1AF40] =	vst v63  }
0x9a: {  	_ =	swait.ge [sflag:s30], $0x3400  }
0x9b: {  	[sflag:s30] =	ssyncset.done $0x0  }
0x9c: {  	[sflag:s30] =	ssyncadd.s32 $0xFFFFCC00  }
0x9d: {  	_ =	swait.ge [sflag:s30], $0x3000  }
0x9e: {  	[sflag:s30] =	ssyncset.done $0x0  }
0x9f: {  	s14 =	rddreg [dreg:$0xd];
	[sflag:s30] =	ssyncadd.s32 $0xFFFFD000  }
0xa0: {  	[hbm4b:s14+s4] =	stream.linear.scatter [tilespmem:s28], [sflag:$0x7], $0x6400, $0x38;
	[tilespmem:$0x1AF40] =	vst v63  }
0xa1: {  	_ =	swait.ge [sflag:s1], $0x3400  }
0xa2: {  	[sflag:s1] =	ssyncset.done $0x0  }
0xa3: {  	[sflag:s1] =	ssyncadd.s32 $0xFFFFCC00  }
0xa4: {  	s10 =	simm.s32 $0xC80;
	s16 =	sadd.s32 $0x3200, s12;
	_ =	swait.ge [sflag:s1], $0x3000  }
0xa5: {  	s6 =	sadd.s32 $0x3200, s13;
	[sflag:s1] =	ssyncset.done $0x0;
	s12 =	rddreg [dreg:$0xc]  }
0xa6: {  	s11 =	sadd.s32 $0x3200, s14;
	[sflag:s1] =	ssyncadd.s32 $0xFFFFD000;
	s15 =	sadd.s32 $0x3200, s12  }
.LBB2_2:
0xa7: {  	[hbm4b:s12+s4] =	stream.linear.scatter [tilespmem:s2], [sflag:$0x8], $0x6400, $0x38;
	[tilespmem:$0x1AF40] =	vst v63  }
0xa8: {  	s13 =	smov.u32 s10;
	s12 =	smov.u32 s15  }
0xa9: {  	p1 =	sne.s32 s10, $0x4B00;
	s10 =	sadd.s32 $0xC80, s10;
	_ =	swait.ge [sflag:s21], $0x6400  }
0xaa: {  	[sflag:s21] =	ssyncset.done $0x0  }
0xab: {  	[sflag:s21] =	ssyncadd.s32 $0xFFFF9C00  }
0xac: {  	[tilespmem:s18], [sflag:$0x9] =	stream.linear.gather [spmem:s3], $0x6400, $0x38;
	[tilespmem:$0x1AF40] =	vst v63  }
0xad: {  	_ =	swait.ge [sflag:s17], $0x6400  }
0xae: {  	s13 =	sshra.s32 s13, $0x2;
	[sflag:s17] =	ssyncset.done $0x0  }
0xaf: {  	s14 =	sadd.s32 $0x19960, s13;
	[sflag:s17] =	ssyncadd.s32 $0xFFFF9C00  }
0xb0: {  	[tilespmem:s18], [sflag:$0x1] =	stream.indirect.gather.add.f32 [hbm:s0], $0x80, s14, s19, $0xb8;
	[tilespmem:$0x1AF40] =	vst v63  }
0xb1: {  	s14 =	sadd.s32 $0x199C8, s13  }
0xb2: {  	[tilespmem:s22], [sflag:$0x1] =	stream.indirect.gather.add.f32 [hbm:s0], $0x80, s14, s20, $0xb8;
	[tilespmem:$0x1AF40] =	vst v63  }
0xb3: {  	_ =	swait.ge [sflag:s5], $0x6400  }
0xb4: {  	[sflag:s5] =	ssyncset.done $0x0  }
0xb5: {  	[sflag:s5] =	ssyncadd.s32 $0xFFFF9C00  }
0xb6: {  	[tilespmem:s23], [sflag:$0x9] =	stream.linear.gather [spmem:s3], $0x6400, $0x38;
	[tilespmem:$0x1AF40] =	vst v63  }
0xb7: {  	_ =	swait.ge [sflag:s17], $0x6400  }
0xb8: {  	[sflag:s17] =	ssyncset.done $0x0  }
0xb9: {  	s14 =	sadd.s32 $0x19A28, s13;
	[sflag:s17] =	ssyncadd.s32 $0xFFFF9C00  }
0xba: {  	[tilespmem:s23], [sflag:$0x2] =	stream.indirect.gather.add.f32 [hbm:s0], $0x80, s14, s19, $0xb8;
	[tilespmem:$0x1AF40] =	vst v63  }
0xbb: {  	s14 =	sadd.s32 $0x19A90, s13  }
0xbc: {  	[tilespmem:s26], [sflag:$0x2] =	stream.indirect.gather.add.f32 [hbm:s0], $0x80, s14, s20, $0xb8;
	[tilespmem:$0x1AF40] =	vst v63  }
0xbd: {  	_ =	swait.ge [sflag:s7], $0x6400  }
0xbe: {  	[sflag:s7] =	ssyncset.done $0x0  }
0xbf: {  	[sflag:s7] =	ssyncadd.s32 $0xFFFF9C00  }
0xc0: {  	[tilespmem:s28], [sflag:$0x9] =	stream.linear.gather [spmem:s3], $0x6400, $0x38;
	[tilespmem:$0x1AF40] =	vst v63  }
0xc1: {  	_ =	swait.ge [sflag:s17], $0x6400  }
0xc2: {  	[sflag:s17] =	ssyncset.done $0x0  }
0xc3: {  	s14 =	sadd.s32 $0x19AF0, s13;
	[sflag:s17] =	ssyncadd.s32 $0xFFFF9C00  }
0xc4: {  	[tilespmem:s28], [sflag:$0x3] =	stream.indirect.gather.add.f32 [hbm:s0], $0x80, s14, s19, $0xb8;
	[tilespmem:$0x1AF40] =	vst v63  }
0xc5: {  	s14 =	sadd.s32 $0x19B58, s13  }
0xc6: {  	[tilespmem:s31], [sflag:$0x3] =	stream.indirect.gather.add.f32 [hbm:s0], $0x80, s14, s20, $0xb8;
	[tilespmem:$0x1AF40] =	vst v63  }
0xc7: {  	_ =	swait.ge [sflag:s8], $0x6400  }
0xc8: {  	[sflag:s8] =	ssyncset.done $0x0  }
0xc9: {  	[sflag:s8] =	ssyncadd.s32 $0xFFFF9C00  }
0xca: {  	[tilespmem:s2], [sflag:$0x9] =	stream.linear.gather [spmem:s3], $0x6400, $0x38;
	[tilespmem:$0x1AF40] =	vst v63  }
0xcb: {  	_ =	swait.ge [sflag:s17], $0x6400  }
0xcc: {  	[sflag:s17] =	ssyncset.done $0x0  }
0xcd: {  	s14 =	sadd.s32 $0x19BB8, s13;
	[sflag:s17] =	ssyncadd.s32 $0xFFFF9C00  }
0xce: {  	[tilespmem:s2], [sflag:$0x4] =	stream.indirect.gather.add.f32 [hbm:s0], $0x80, s14, s19, $0xb8;
	[tilespmem:$0x1AF40] =	vst v63  }
0xcf: {  	s13 =	sadd.s32 $0x19C20, s13  }
0xd0: {  	[tilespmem:s24], [sflag:$0x4] =	stream.indirect.gather.add.f32 [hbm:s0], $0x80, s13, s20, $0xb8;
	[tilespmem:$0x1AF40] =	vst v63  }
0xd1: {  	_ =	swait.ge [sflag:s25], $0x3400  }
0xd2: {  	[sflag:s25] =	ssyncset.done $0x0  }
0xd3: {  	[sflag:s25] =	ssyncadd.s32 $0xFFFFCC00  }
0xd4: {  	_ =	swait.ge [sflag:s25], $0x3000  }
0xd5: {  	[sflag:s25] =	ssyncset.done $0x0  }
0xd6: {  	[sflag:s25] =	ssyncadd.s32 $0xFFFFD000  }
0xd7: {  	[hbm4b:s16+s4] =	stream.linear.scatter [tilespmem:s18], [sflag:$0x5], $0x6400, $0x38;
	[tilespmem:$0x1AF40] =	vst v63  }
0xd8: {  	_ =	swait.ge [sflag:s29], $0x3400  }
0xd9: {  	[sflag:s29] =	ssyncset.done $0x0  }
0xda: {  	[sflag:s29] =	ssyncadd.s32 $0xFFFFCC00  }
0xdb: {  	_ =	swait.ge [sflag:s29], $0x3000  }
0xdc: {  	[sflag:s29] =	ssyncset.done $0x0  }
0xdd: {  	[sflag:s29] =	ssyncadd.s32 $0xFFFFD000  }
0xde: {  	[hbm4b:s6+s4] =	stream.linear.scatter [tilespmem:s23], [sflag:$0x6], $0x6400, $0x38;
	[tilespmem:$0x1AF40] =	vst v63  }
0xdf: {  	_ =	swait.ge [sflag:s30], $0x3400  }
0xe0: {  	[sflag:s30] =	ssyncset.done $0x0  }
0xe1: {  	[sflag:s30] =	ssyncadd.s32 $0xFFFFCC00  }
0xe2: {  	_ =	swait.ge [sflag:s30], $0x3000  }
0xe3: {  	[sflag:s30] =	ssyncset.done $0x0  }
0xe4: {  	[sflag:s30] =	ssyncadd.s32 $0xFFFFD000  }
0xe5: {  	[hbm4b:s11+s4] =	stream.linear.scatter [tilespmem:s28], [sflag:$0x7], $0x6400, $0x38;
	[tilespmem:$0x1AF40] =	vst v63  }
0xe6: {  	_ =	swait.ge [sflag:s1], $0x3400  }
.Ltmp0:
0xe7: {  	[sflag:s1] =	ssyncset.done $0x0;
	(pc) =	sbr.rel @p1 .LBB2_2-.Ltmp0, $4  }
0xe8: {  	[sflag:s1] =	ssyncadd.s32 $0xFFFFCC00  }
0xe9: {  	_ =	swait.ge [sflag:s1], $0x3000  }
0xea: {  	s16 =	sadd.s32 $0x3200, s16;
	s6 =	sadd.s32 $0x3200, s6;
	[sflag:s1] =	ssyncset.done $0x0  }
0xeb: {  	s15 =	sadd.s32 $0x3200, s15;
	s11 =	sadd.s32 $0x3200, s11;
	[sflag:s1] =	ssyncadd.s32 $0xFFFFD000  }
0xec: {  	[hbm4b:s12+s4] =	stream.linear.scatter [tilespmem:s2], [sflag:$0x8], $0x6400, $0x38;
	[tilespmem:$0x1AF40] =	vst v63  }
0xed: {  	_ =	swait.ge [sflag:s21], $0x6400  }
0xee: {  	[sflag:s21] =	ssyncset.done $0x0  }
0xef: {  	[sflag:s21] =	ssyncadd.s32 $0xFFFF9C00  }
0xf0: {  	_ =	swait.ge [sflag:s5], $0x6400  }
0xf1: {  	[sflag:s5] =	ssyncset.done $0x0  }
0xf2: {  	[sflag:s5] =	ssyncadd.s32 $0xFFFF9C00  }
0xf3: {  	_ =	swait.ge [sflag:s7], $0x6400  }
0xf4: {  	[sflag:s7] =	ssyncset.done $0x0  }
0xf5: {  	[sflag:s7] =	ssyncadd.s32 $0xFFFF9C00  }
0xf6: {  	_ =	swait.ge [sflag:s8], $0x6400  }
0xf7: {  	s9 =	sadd.s32 $0x1, s9;
	s6 =	rddreg [dreg:$0xb]  }
0xf8: {  	p1 =	sne.s32 s9, s6  }
.Ltmp1:
0xf9: {  	_ = 	snop;
	(pc) =	sbr.rel @p1 .LBB2_1-.Ltmp1, $3  }
0xfa: {  	_ =	sdelay $0x1  }
0xfb: {  	[sflag:s8] =	ssyncset.done $0x0  }
0xfc: {  	[sflag:s8] =	ssyncadd.s32 $0xFFFF9C00  }
0xfd: {  	_ =	sfence.sel $0x180000  }
0xfe: {  	[bflag:$0x0] =	sbarrier.arrive $0xFFFF  }
0xff: {  	_ =	strace $0x90000047  }
0x100: {  	[bflag:$0x2] =	sbarrier.arrive $0xFFFF  }
0x101: {  	s0 =	rddreg [dreg:$0x5]  }
0x102: {  	s0 =	sadd.s32 @!p0 $0x100000, s0  }
0x103: {  	[sflag:s0] =	ssyncadd.tile.s32 @!p0 $0x1;
	_ =	shalt  }
.Lfunc_end2:
_tile_overlayer_lowered:
.L_overlay_start_2:
0x104: {  	(tag) =	ssettag $0x2  }
0x105: {  	s0 =	rddreg [dreg:$0x0];
	s2 =	stileid.u32  }
0x106: {  	s1 =	rddreg [dreg:$0x1];
	p0 =	sne.s32 s2, $0x0  }
0x107: {  	s3 =	rddreg [dreg:$0x2];
	[bflag:$0x3] =	sbarrier.arrive $0xFFFF;
	s2 =	simm.s32 @!p0 $0x1C09  }
0x108: {  	[timem:s3], [sflag:s2] =	dma.local @!p0 [hbm:s0], s1  }
0x109: {  	s0 =	simm.s32 @!p0 $0x9  }
0x10a: {  	_ =	swait.ge @!p0 [sflag:s0], s1  }
0x10b: {  	s1 =	ssub.s32 @!p0 $0x0, s1;
	[sflag:s0] =	ssyncset.done @!p0 $0x0  }
0x10c: {  	[sflag:s0] =	ssyncadd.s32 @!p0 s1  }
0x10d: {  	[bflag:$0x3] =	sbarrier.arrive $0xFFFF  }
0x10e: {  	_ =	shalt  }

</sc_bundles>
